<compile_context>
chip_gen: v7x
topology: tpu7x:2x2x1
jax: 0.10.2.dev20260603
libtpu: 0.0.44.dev20260713+nightly
codegen_flags: <defaults>
</compile_context>

<pallas_src>
import jax
import jax.numpy as jnp
from jax import lax
from jax.experimental import pallas as pl
from jax.experimental.pallas import tpu as pltpu
from jax.experimental.pallas import tpu_sc as plsc

BATCH = 4096
HIST = 200
DIM = 64
N = BATCH * HIST
NC, NS = 2, 16
NW = NC * NS
PER_W = N // NW
U = 16
MC = U * 16
G = PER_W // MC


def _body(idx_hbm, table_hbm, out_hbm, idx_v, rows_v, sem_g, sem_s):
    wid = lax.axis_index("s") * NC + lax.axis_index("c")
    pltpu.sync_copy(idx_hbm.at[wid], idx_v)
    base = wid * PER_W

    def fire(m, buf):
        for u in range(U):
            ivec = idx_v[pl.ds(m * MC + u * 16, 16)]
            pltpu.async_copy(table_hbm.at[ivec], rows_v.at[buf, pl.ds(u * 16, 16)], sem_g)

    def drain(buf):
        for u in range(U):
            pltpu.make_async_copy(
                table_hbm.at[idx_v[pl.ds(0, 16)]],
                rows_v.at[buf, pl.ds(u * 16, 16)], sem_g).wait()

    def store_start(m, buf):
        pltpu.async_copy(rows_v.at[buf], out_hbm.at[pl.ds(base + m * MC, MC)], sem_s)

    def store_wait(buf):
        pltpu.make_async_copy(rows_v.at[buf], out_hbm.at[pl.ds(base, MC)], sem_s).wait()

    fire(0, 0)

    def outer(o, carry):
        for half in range(2):
            m = o * 2 + half

            @pl.when(m + 1 < G)
            def _():
                @pl.when(m >= 1)
                def _():
                    store_wait(1 - half)
                fire(m + 1, 1 - half)

            drain(half)
            store_start(m, half)
        return carry

    lax.fori_loop(0, G // 2, outer, 0)
    store_wait(0)
    store_wait(1)


@jax.jit
def _gather(idx2, weight):
    mesh = plsc.VectorSubcoreMesh(core_axis_name="c", subcore_axis_name="s")
    return pl.kernel(
        _body,
        out_type=jax.ShapeDtypeStruct((N, DIM), jnp.float32),
        mesh=mesh,
        scratch_types=[
            pltpu.VMEM((PER_W,), jnp.int32),
            pltpu.VMEM((2, MC, DIM), jnp.float32),
            pltpu.SemaphoreType.DMA,
            pltpu.SemaphoreType.DMA,
        ],
        compiler_params=pltpu.CompilerParams(use_tc_tiling_on_sc=False),
    )(idx2, weight)


def kernel(input_, weight):
    idx2 = input_.astype(jnp.int32).reshape(NW, PER_W)
    out = _gather(idx2, weight)
    return out.reshape(BATCH, HIST, DIM)

# --- scband reference (transcript-rebuilt; emitter-appended) ---
"""Pipeline reference for scband-parallel-embedding-27161373180263 (READ-ONLY COPY).

The authoritative reference and input builder live on the scoring server;
editing this copy changes nothing except your own understanding.
"""

import jax, jax.numpy as jnp
import numpy as np

NUM_EMBEDDINGS = 1000000
EMBEDDING_DIM = 64
BATCH = 4096
HIST_LEN = 200


def setup_inputs(seed: int = 0) -> dict:
    key = jax.random.key(seed)
    k_idx, k_w = jax.random.split(key)
    input_ = jax.random.randint(k_idx, (BATCH, HIST_LEN), 0, NUM_EMBEDDINGS, dtype=jnp.int64) if jax.config.jax_enable_x64 else jax.random.randint(k_idx, (BATCH, HIST_LEN), 0, NUM_EMBEDDINGS, dtype=jnp.int32)
    # xavier_normal_ on (V, D): std = sqrt(2/(V+D))
    std = float(np.sqrt(2.0 / (NUM_EMBEDDINGS + EMBEDDING_DIM)))
    weight = jax.random.normal(k_w, (NUM_EMBEDDINGS, EMBEDDING_DIM), dtype=jnp.float32) * std
    return {"input_": input_, "weight": weight}


def reference(input_, weight):
    # tensor_model_parallel_size == 1 path: plain embedding gather.
    # F.embedding(masked_input, weight) with padding_idx=None, max_norm=None
    output = jnp.take(weight, input_, axis=0)
    return output

if __name__ == "__main__":
    import jax
    _d = setup_inputs()
    print(jax.jit(kernel)(*tuple(_d.values())))

</pallas_src>

<mosaic_0001>
#map = affine_map<(d0, d1) -> (0, 0)>
module attributes {stable_mosaic.version = 14 : i64} {
  func.func @_body(%arg0: i32, %arg1: i32, %arg2: memref<32x25600xi32, #tpu.memory_space<hbm>>, %arg3: memref<1000000x64xf32, #tpu.memory_space<hbm>>, %arg4: memref<819200x64xf32, #tpu.memory_space<hbm>>, %arg5: memref<25600xi32, #tpu.memory_space<vmem>>, %arg6: memref<2x256x64xf32, #tpu.memory_space<vmem>>, %arg7: memref<!tpu.dma_semaphore, #tpu.memory_space<semaphore_mem>>, %arg8: memref<!tpu.dma_semaphore, #tpu.memory_space<semaphore_mem>>) attributes {dimension_semantics = [#tpu.dimension_semantics<core_parallel>, #tpu.dimension_semantics<subcore_parallel>], iteration_bounds = array<i64: 2, 16>, scalar_prefetch = 0 : i64, scratch_operands = 4 : i64, tpu.core_type = #tpu.core_type<sc_vector_subcore>, window_params = [{transform_indices = #map}, {transform_indices = #map}, {transform_indices = #map}]} {
    %mul3A = arith.constant 2 : i32
    %mul3A_0 = arith.muli %arg1, %mul3A : i32
    %add3A = arith.addi %mul3A_0, %arg0 : i32
    "tpu.region"() ({
      %run_scoped3A = tpu.sem_alloc : memref<!tpu.dma_semaphore, #tpu.memory_space<semaphore_mem>>
      %dma_start3A_207 = arith.constant 0 : i32
      %dma_start3A_208 = tpu.memref_slice %arg2[%add3A, %dma_start3A_207] : memref<32x25600xi32, #tpu.memory_space<hbm>> -> memref<1x25600xi32, #tpu.memory_space<hbm>>
      %dma_start3A_209 = tpu.memref_squeeze %dma_start3A_208 : memref<1x25600xi32, #tpu.memory_space<hbm>> -> memref<25600xi32, #tpu.memory_space<hbm>>
      %dma_start3A_210 = arith.constant 0 : i32
      %dma_start3A_211 = tpu.memref_slice %arg2[%add3A, %dma_start3A_210] : memref<32x25600xi32, #tpu.memory_space<hbm>> -> memref<1x25600xi32, #tpu.memory_space<hbm>>
      %dma_start3A_212 = tpu.memref_squeeze %dma_start3A_211 : memref<1x25600xi32, #tpu.memory_space<hbm>> -> memref<25600xi32, #tpu.memory_space<hbm>>
      tpu.enqueue_dma source(%dma_start3A_212 : memref<25600xi32, #tpu.memory_space<hbm>>) target(%arg5 : memref<25600xi32, #tpu.memory_space<vmem>>) target_semaphore(%run_scoped3A : memref<!tpu.dma_semaphore, #tpu.memory_space<semaphore_mem>>)
      %dma_wait3A_213 = arith.constant 0 : i32
      %dma_wait3A_214 = tpu.memref_slice %arg2[%add3A, %dma_wait3A_213] : memref<32x25600xi32, #tpu.memory_space<hbm>> -> memref<1x25600xi32, #tpu.memory_space<hbm>>
      %dma_wait3A_215 = tpu.memref_squeeze %dma_wait3A_214 : memref<1x25600xi32, #tpu.memory_space<hbm>> -> memref<25600xi32, #tpu.memory_space<hbm>>
      %dma_wait3A_216 = arith.constant 0 : i32
      %dma_wait3A_217 = tpu.memref_slice %arg2[%add3A, %dma_wait3A_216] : memref<32x25600xi32, #tpu.memory_space<hbm>> -> memref<1x25600xi32, #tpu.memory_space<hbm>>
      %dma_wait3A_218 = tpu.memref_squeeze %dma_wait3A_217 : memref<1x25600xi32, #tpu.memory_space<hbm>> -> memref<25600xi32, #tpu.memory_space<hbm>>
      tpu.wait_dma2 semaphore(%run_scoped3A : memref<!tpu.dma_semaphore, #tpu.memory_space<semaphore_mem>>) src(%dma_wait3A_218 : memref<25600xi32, #tpu.memory_space<hbm>>) dst(%arg5 : memref<25600xi32, #tpu.memory_space<vmem>>)
      tpu.yield
    }) : () -> ()
    %mul3A_1 = arith.constant 25600 : i32
    %mul3A_2 = arith.muli %add3A, %mul3A_1 : i32
    %get3A = arith.constant 0 : index
    %get3A_3 = tpu.vector_load %arg5[%get3A] {strides = array<i32>} : memref<25600xi32, #tpu.memory_space<vmem>>, vector<16xi32>,
    %get3A_4 = vector.shape_cast %get3A_3 : vector<16xi32> to vector<16xi32>
    %dma_start3A = arith.constant 0 : i32
    %dma_start3A_5 = arith.constant 0 : i32
    %dma_start3A_6 = arith.constant 0 : i32
    %dma_start3A_7 = tpu.memref_slice %arg6[%dma_start3A, %dma_start3A_5, %dma_start3A_6] : memref<2x256x64xf32, #tpu.memory_space<vmem>> -> memref<1x16x64xf32, #tpu.memory_space<vmem>>
    %dma_start3A_8 = tpu.memref_squeeze %dma_start3A_7 : memref<1x16x64xf32, #tpu.memory_space<vmem>> -> memref<16x64xf32, #tpu.memory_space<vmem>>
    %dma_start3A_9 = arith.constant 0 : i32
    %dma_start3A_10 = arith.constant 0 : i32
    %dma_start3A_11 = tpu.memref_slice %arg3[%dma_start3A_9, %dma_start3A_10] : memref<1000000x64xf32, #tpu.memory_space<hbm>> -> memref<1000000x64xf32, #tpu.memory_space<hbm>>
    tpu.enqueue_indirect_dma source(%dma_start3A_11 : memref<1000000x64xf32, #tpu.memory_space<hbm>>) target(%dma_start3A_8 : memref<16x64xf32, #tpu.memory_space<vmem>>) offsets(%get3A_4 : vector<16xi32>) semaphore(%arg7 : memref<!tpu.dma_semaphore, #tpu.memory_space<semaphore_mem>>)
    %get3A_12 = arith.constant 16 : index
    %get3A_13 = tpu.vector_load %arg5[%get3A_12] {strides = array<i32>} : memref<25600xi32, #tpu.memory_space<vmem>>, vector<16xi32>,
    %get3A_14 = vector.shape_cast %get3A_13 : vector<16xi32> to vector<16xi32>
    %dma_start3A_15 = arith.constant 0 : i32
    %dma_start3A_16 = arith.constant 16 : i32
    %dma_start3A_17 = arith.constant 0 : i32
    %dma_start3A_18 = tpu.memref_slice %arg6[%dma_start3A_15, %dma_start3A_16, %dma_start3A_17] : memref<2x256x64xf32, #tpu.memory_space<vmem>> -> memref<1x16x64xf32, #tpu.memory_space<vmem>>
    %dma_start3A_19 = tpu.memref_squeeze %dma_start3A_18 : memref<1x16x64xf32, #tpu.memory_space<vmem>> -> memref<16x64xf32, #tpu.memory_space<vmem>>
    %dma_start3A_20 = arith.constant 0 : i32
    %dma_start3A_21 = arith.constant 0 : i32
    %dma_start3A_22 = tpu.memref_slice %arg3[%dma_start3A_20, %dma_start3A_21] : memref<1000000x64xf32, #tpu.memory_space<hbm>> -> memref<1000000x64xf32, #tpu.memory_space<hbm>>
    tpu.enqueue_indirect_dma source(%dma_start3A_22 : memref<1000000x64xf32, #tpu.memory_space<hbm>>) target(%dma_start3A_19 : memref<16x64xf32, #tpu.memory_space<vmem>>) offsets(%get3A_14 : vector<16xi32>) semaphore(%arg7 : memref<!tpu.dma_semaphore, #tpu.memory_space<semaphore_mem>>)
    %get3A_23 = arith.constant 32 : index
    %get3A_24 = tpu.vector_load %arg5[%get3A_23] {strides = array<i32>} : memref<25600xi32, #tpu.memory_space<vmem>>, vector<16xi32>,
    %get3A_25 = vector.shape_cast %get3A_24 : vector<16xi32> to vector<16xi32>
    %dma_start3A_26 = arith.constant 0 : i32
    %dma_start3A_27 = arith.constant 32 : i32
    %dma_start3A_28 = arith.constant 0 : i32
    %dma_start3A_29 = tpu.memref_slice %arg6[%dma_start3A_26, %dma_start3A_27, %dma_start3A_28] : memref<2x256x64xf32, #tpu.memory_space<vmem>> -> memref<1x16x64xf32, #tpu.memory_space<vmem>>
    %dma_start3A_30 = tpu.memref_squeeze %dma_start3A_29 : memref<1x16x64xf32, #tpu.memory_space<vmem>> -> memref<16x64xf32, #tpu.memory_space<vmem>>
    %dma_start3A_31 = arith.constant 0 : i32
    %dma_start3A_32 = arith.constant 0 : i32
    %dma_start3A_33 = tpu.memref_slice %arg3[%dma_start3A_31, %dma_start3A_32] : memref<1000000x64xf32, #tpu.memory_space<hbm>> -> memref<1000000x64xf32, #tpu.memory_space<hbm>>
    tpu.enqueue_indirect_dma source(%dma_start3A_33 : memref<1000000x64xf32, #tpu.memory_space<hbm>>) target(%dma_start3A_30 : memref<16x64xf32, #tpu.memory_space<vmem>>) offsets(%get3A_25 : vector<16xi32>) semaphore(%arg7 : memref<!tpu.dma_semaphore, #tpu.memory_space<semaphore_mem>>)
    %get3A_34 = arith.constant 48 : index
    %get3A_35 = tpu.vector_load %arg5[%get3A_34] {strides = array<i32>} : memref<25600xi32, #tpu.memory_space<vmem>>, vector<16xi32>,
    %get3A_36 = vector.shape_cast %get3A_35 : vector<16xi32> to vector<16xi32>
    %dma_start3A_37 = arith.constant 0 : i32
    %dma_start3A_38 = arith.constant 48 : i32
    %dma_start3A_39 = arith.constant 0 : i32
    %dma_start3A_40 = tpu.memref_slice %arg6[%dma_start3A_37, %dma_start3A_38, %dma_start3A_39] : memref<2x256x64xf32, #tpu.memory_space<vmem>> -> memref<1x16x64xf32, #tpu.memory_space<vmem>>
    %dma_start3A_41 = tpu.memref_squeeze %dma_start3A_40 : memref<1x16x64xf32, #tpu.memory_space<vmem>> -> memref<16x64xf32, #tpu.memory_space<vmem>>
    %dma_start3A_42 = arith.constant 0 : i32
    %dma_start3A_43 = arith.constant 0 : i32
    %dma_start3A_44 = tpu.memref_slice %arg3[%dma_start3A_42, %dma_start3A_43] : memref<1000000x64xf32, #tpu.memory_space<hbm>> -> memref<1000000x64xf32, #tpu.memory_space<hbm>>
    tpu.enqueue_indirect_dma source(%dma_start3A_44 : memref<1000000x64xf32, #tpu.memory_space<hbm>>) target(%dma_start3A_41 : memref<16x64xf32, #tpu.memory_space<vmem>>) offsets(%get3A_36 : vector<16xi32>) semaphore(%arg7 : memref<!tpu.dma_semaphore, #tpu.memory_space<semaphore_mem>>)
    %get3A_45 = arith.constant 64 : index
    %get3A_46 = tpu.vector_load %arg5[%get3A_45] {strides = array<i32>} : memref<25600xi32, #tpu.memory_space<vmem>>, vector<16xi32>,
    %get3A_47 = vector.shape_cast %get3A_46 : vector<16xi32> to vector<16xi32>
    %dma_start3A_48 = arith.constant 0 : i32
    %dma_start3A_49 = arith.constant 64 : i32
    %dma_start3A_50 = arith.constant 0 : i32
    %dma_start3A_51 = tpu.memref_slice %arg6[%dma_start3A_48, %dma_start3A_49, %dma_start3A_50] : memref<2x256x64xf32, #tpu.memory_space<vmem>> -> memref<1x16x64xf32, #tpu.memory_space<vmem>>
    %dma_start3A_52 = tpu.memref_squeeze %dma_start3A_51 : memref<1x16x64xf32, #tpu.memory_space<vmem>> -> memref<16x64xf32, #tpu.memory_space<vmem>>
    %dma_start3A_53 = arith.constant 0 : i32
    %dma_start3A_54 = arith.constant 0 : i32
    %dma_start3A_55 = tpu.memref_slice %arg3[%dma_start3A_53, %dma_start3A_54] : memref<1000000x64xf32, #tpu.memory_space<hbm>> -> memref<1000000x64xf32, #tpu.memory_space<hbm>>
    tpu.enqueue_indirect_dma source(%dma_start3A_55 : memref<1000000x64xf32, #tpu.memory_space<hbm>>) target(%dma_start3A_52 : memref<16x64xf32, #tpu.memory_space<vmem>>) offsets(%get3A_47 : vector<16xi32>) semaphore(%arg7 : memref<!tpu.dma_semaphore, #tpu.memory_space<semaphore_mem>>)
    %get3A_56 = arith.constant 80 : index
    %get3A_57 = tpu.vector_load %arg5[%get3A_56] {strides = array<i32>} : memref<25600xi32, #tpu.memory_space<vmem>>, vector<16xi32>,
    %get3A_58 = vector.shape_cast %get3A_57 : vector<16xi32> to vector<16xi32>
    %dma_start3A_59 = arith.constant 0 : i32
    %dma_start3A_60 = arith.constant 80 : i32
    %dma_start3A_61 = arith.constant 0 : i32
    %dma_start3A_62 = tpu.memref_slice %arg6[%dma_start3A_59, %dma_start3A_60, %dma_start3A_61] : memref<2x256x64xf32, #tpu.memory_space<vmem>> -> memref<1x16x64xf32, #tpu.memory_space<vmem>>
    %dma_start3A_63 = tpu.memref_squeeze %dma_start3A_62 : memref<1x16x64xf32, #tpu.memory_space<vmem>> -> memref<16x64xf32, #tpu.memory_space<vmem>>
    %dma_start3A_64 = arith.constant 0 : i32
    %dma_start3A_65 = arith.constant 0 : i32
    %dma_start3A_66 = tpu.memref_slice %arg3[%dma_start3A_64, %dma_start3A_65] : memref<1000000x64xf32, #tpu.memory_space<hbm>> -> memref<1000000x64xf32, #tpu.memory_space<hbm>>
    tpu.enqueue_indirect_dma source(%dma_start3A_66 : memref<1000000x64xf32, #tpu.memory_space<hbm>>) target(%dma_start3A_63 : memref<16x64xf32, #tpu.memory_space<vmem>>) offsets(%get3A_58 : vector<16xi32>) semaphore(%arg7 : memref<!tpu.dma_semaphore, #tpu.memory_space<semaphore_mem>>)
    %get3A_67 = arith.constant 96 : index
    %get3A_68 = tpu.vector_load %arg5[%get3A_67] {strides = array<i32>} : memref<25600xi32, #tpu.memory_space<vmem>>, vector<16xi32>,
    %get3A_69 = vector.shape_cast %get3A_68 : vector<16xi32> to vector<16xi32>
    %dma_start3A_70 = arith.constant 0 : i32
    %dma_start3A_71 = arith.constant 96 : i32
    %dma_start3A_72 = arith.constant 0 : i32
    %dma_start3A_73 = tpu.memref_slice %arg6[%dma_start3A_70, %dma_start3A_71, %dma_start3A_72] : memref<2x256x64xf32, #tpu.memory_space<vmem>> -> memref<1x16x64xf32, #tpu.memory_space<vmem>>
    %dma_start3A_74 = tpu.memref_squeeze %dma_start3A_73 : memref<1x16x64xf32, #tpu.memory_space<vmem>> -> memref<16x64xf32, #tpu.memory_space<vmem>>
    %dma_start3A_75 = arith.constant 0 : i32
    %dma_start3A_76 = arith.constant 0 : i32
    %dma_start3A_77 = tpu.memref_slice %arg3[%dma_start3A_75, %dma_start3A_76] : memref<1000000x64xf32, #tpu.memory_space<hbm>> -> memref<1000000x64xf32, #tpu.memory_space<hbm>>
    tpu.enqueue_indirect_dma source(%dma_start3A_77 : memref<1000000x64xf32, #tpu.memory_space<hbm>>) target(%dma_start3A_74 : memref<16x64xf32, #tpu.memory_space<vmem>>) offsets(%get3A_69 : vector<16xi32>) semaphore(%arg7 : memref<!tpu.dma_semaphore, #tpu.memory_space<semaphore_mem>>)
    %get3A_78 = arith.constant 112 : index
    %get3A_79 = tpu.vector_load %arg5[%get3A_78] {strides = array<i32>} : memref<25600xi32, #tpu.memory_space<vmem>>, vector<16xi32>,
    %get3A_80 = vector.shape_cast %get3A_79 : vector<16xi32> to vector<16xi32>
    %dma_start3A_81 = arith.constant 0 : i32
    %dma_start3A_82 = arith.constant 112 : i32
    %dma_start3A_83 = arith.constant 0 : i32
    %dma_start3A_84 = tpu.memref_slice %arg6[%dma_start3A_81, %dma_start3A_82, %dma_start3A_83] : memref<2x256x64xf32, #tpu.memory_space<vmem>> -> memref<1x16x64xf32, #tpu.memory_space<vmem>>
    %dma_start3A_85 = tpu.memref_squeeze %dma_start3A_84 : memref<1x16x64xf32, #tpu.memory_space<vmem>> -> memref<16x64xf32, #tpu.memory_space<vmem>>
    %dma_start3A_86 = arith.constant 0 : i32
    %dma_start3A_87 = arith.constant 0 : i32
    %dma_start3A_88 = tpu.memref_slice %arg3[%dma_start3A_86, %dma_start3A_87] : memref<1000000x64xf32, #tpu.memory_space<hbm>> -> memref<1000000x64xf32, #tpu.memory_space<hbm>>
    tpu.enqueue_indirect_dma source(%dma_start3A_88 : memref<1000000x64xf32, #tpu.memory_space<hbm>>) target(%dma_start3A_85 : memref<16x64xf32, #tpu.memory_space<vmem>>) offsets(%get3A_80 : vector<16xi32>) semaphore(%arg7 : memref<!tpu.dma_semaphore, #tpu.memory_space<semaphore_mem>>)
    %get3A_89 = arith.constant 128 : index
    %get3A_90 = tpu.vector_load %arg5[%get3A_89] {strides = array<i32>} : memref<25600xi32, #tpu.memory_space<vmem>>, vector<16xi32>,
    %get3A_91 = vector.shape_cast %get3A_90 : vector<16xi32> to vector<16xi32>
    %dma_start3A_92 = arith.constant 0 : i32
    %dma_start3A_93 = arith.constant 128 : i32
    %dma_start3A_94 = arith.constant 0 : i32
    %dma_start3A_95 = tpu.memref_slice %arg6[%dma_start3A_92, %dma_start3A_93, %dma_start3A_94] : memref<2x256x64xf32, #tpu.memory_space<vmem>> -> memref<1x16x64xf32, #tpu.memory_space<vmem>>
    %dma_start3A_96 = tpu.memref_squeeze %dma_start3A_95 : memref<1x16x64xf32, #tpu.memory_space<vmem>> -> memref<16x64xf32, #tpu.memory_space<vmem>>
    %dma_start3A_97 = arith.constant 0 : i32
    %dma_start3A_98 = arith.constant 0 : i32
    %dma_start3A_99 = tpu.memref_slice %arg3[%dma_start3A_97, %dma_start3A_98] : memref<1000000x64xf32, #tpu.memory_space<hbm>> -> memref<1000000x64xf32, #tpu.memory_space<hbm>>
    tpu.enqueue_indirect_dma source(%dma_start3A_99 : memref<1000000x64xf32, #tpu.memory_space<hbm>>) target(%dma_start3A_96 : memref<16x64xf32, #tpu.memory_space<vmem>>) offsets(%get3A_91 : vector<16xi32>) semaphore(%arg7 : memref<!tpu.dma_semaphore, #tpu.memory_space<semaphore_mem>>)
    %get3A_100 = arith.constant 144 : index
    %get3A_101 = tpu.vector_load %arg5[%get3A_100] {strides = array<i32>} : memref<25600xi32, #tpu.memory_space<vmem>>, vector<16xi32>,
    %get3A_102 = vector.shape_cast %get3A_101 : vector<16xi32> to vector<16xi32>
    %dma_start3A_103 = arith.constant 0 : i32
    %dma_start3A_104 = arith.constant 144 : i32
    %dma_start3A_105 = arith.constant 0 : i32
    %dma_start3A_106 = tpu.memref_slice %arg6[%dma_start3A_103, %dma_start3A_104, %dma_start3A_105] : memref<2x256x64xf32, #tpu.memory_space<vmem>> -> memref<1x16x64xf32, #tpu.memory_space<vmem>>
    %dma_start3A_107 = tpu.memref_squeeze %dma_start3A_106 : memref<1x16x64xf32, #tpu.memory_space<vmem>> -> memref<16x64xf32, #tpu.memory_space<vmem>>
    %dma_start3A_108 = arith.constant 0 : i32
    %dma_start3A_109 = arith.constant 0 : i32
    %dma_start3A_110 = tpu.memref_slice %arg3[%dma_start3A_108, %dma_start3A_109] : memref<1000000x64xf32, #tpu.memory_space<hbm>> -> memref<1000000x64xf32, #tpu.memory_space<hbm>>
    tpu.enqueue_indirect_dma source(%dma_start3A_110 : memref<1000000x64xf32, #tpu.memory_space<hbm>>) target(%dma_start3A_107 : memref<16x64xf32, #tpu.memory_space<vmem>>) offsets(%get3A_102 : vector<16xi32>) semaphore(%arg7 : memref<!tpu.dma_semaphore, #tpu.memory_space<semaphore_mem>>)
    %get3A_111 = arith.constant 160 : index
    %get3A_112 = tpu.vector_load %arg5[%get3A_111] {strides = array<i32>} : memref<25600xi32, #tpu.memory_space<vmem>>, vector<16xi32>,
    %get3A_113 = vector.shape_cast %get3A_112 : vector<16xi32> to vector<16xi32>
    %dma_start3A_114 = arith.constant 0 : i32
    %dma_start3A_115 = arith.constant 160 : i32
    %dma_start3A_116 = arith.constant 0 : i32
    %dma_start3A_117 = tpu.memref_slice %arg6[%dma_start3A_114, %dma_start3A_115, %dma_start3A_116] : memref<2x256x64xf32, #tpu.memory_space<vmem>> -> memref<1x16x64xf32, #tpu.memory_space<vmem>>
    %dma_start3A_118 = tpu.memref_squeeze %dma_start3A_117 : memref<1x16x64xf32, #tpu.memory_space<vmem>> -> memref<16x64xf32, #tpu.memory_space<vmem>>
    %dma_start3A_119 = arith.constant 0 : i32
    %dma_start3A_120 = arith.constant 0 : i32
    %dma_start3A_121 = tpu.memref_slice %arg3[%dma_start3A_119, %dma_start3A_120] : memref<1000000x64xf32, #tpu.memory_space<hbm>> -> memref<1000000x64xf32, #tpu.memory_space<hbm>>
    tpu.enqueue_indirect_dma source(%dma_start3A_121 : memref<1000000x64xf32, #tpu.memory_space<hbm>>) target(%dma_start3A_118 : memref<16x64xf32, #tpu.memory_space<vmem>>) offsets(%get3A_113 : vector<16xi32>) semaphore(%arg7 : memref<!tpu.dma_semaphore, #tpu.memory_space<semaphore_mem>>)
    %get3A_122 = arith.constant 176 : index
    %get3A_123 = tpu.vector_load %arg5[%get3A_122] {strides = array<i32>} : memref<25600xi32, #tpu.memory_space<vmem>>, vector<16xi32>,
    %get3A_124 = vector.shape_cast %get3A_123 : vector<16xi32> to vector<16xi32>
    %dma_start3A_125 = arith.constant 0 : i32
    %dma_start3A_126 = arith.constant 176 : i32
    %dma_start3A_127 = arith.constant 0 : i32
    %dma_start3A_128 = tpu.memref_slice %arg6[%dma_start3A_125, %dma_start3A_126, %dma_start3A_127] : memref<2x256x64xf32, #tpu.memory_space<vmem>> -> memref<1x16x64xf32, #tpu.memory_space<vmem>>
    %dma_start3A_129 = tpu.memref_squeeze %dma_start3A_128 : memref<1x16x64xf32, #tpu.memory_space<vmem>> -> memref<16x64xf32, #tpu.memory_space<vmem>>
    %dma_start3A_130 = arith.constant 0 : i32
    %dma_start3A_131 = arith.constant 0 : i32
    %dma_start3A_132 = tpu.memref_slice %arg3[%dma_start3A_130, %dma_start3A_131] : memref<1000000x64xf32, #tpu.memory_space<hbm>> -> memref<1000000x64xf32, #tpu.memory_space<hbm>>
    tpu.enqueue_indirect_dma source(%dma_start3A_132 : memref<1000000x64xf32, #tpu.memory_space<hbm>>) target(%dma_start3A_129 : memref<16x64xf32, #tpu.memory_space<vmem>>) offsets(%get3A_124 : vector<16xi32>) semaphore(%arg7 : memref<!tpu.dma_semaphore, #tpu.memory_space<semaphore_mem>>)
    %get3A_133 = arith.constant 192 : index
    %get3A_134 = tpu.vector_load %arg5[%get3A_133] {strides = array<i32>} : memref<25600xi32, #tpu.memory_space<vmem>>, vector<16xi32>,
    %get3A_135 = vector.shape_cast %get3A_134 : vector<16xi32> to vector<16xi32>
    %dma_start3A_136 = arith.constant 0 : i32
    %dma_start3A_137 = arith.constant 192 : i32
    %dma_start3A_138 = arith.constant 0 : i32
    %dma_start3A_139 = tpu.memref_slice %arg6[%dma_start3A_136, %dma_start3A_137, %dma_start3A_138] : memref<2x256x64xf32, #tpu.memory_space<vmem>> -> memref<1x16x64xf32, #tpu.memory_space<vmem>>
    %dma_start3A_140 = tpu.memref_squeeze %dma_start3A_139 : memref<1x16x64xf32, #tpu.memory_space<vmem>> -> memref<16x64xf32, #tpu.memory_space<vmem>>
    %dma_start3A_141 = arith.constant 0 : i32
    %dma_start3A_142 = arith.constant 0 : i32
    %dma_start3A_143 = tpu.memref_slice %arg3[%dma_start3A_141, %dma_start3A_142] : memref<1000000x64xf32, #tpu.memory_space<hbm>> -> memref<1000000x64xf32, #tpu.memory_space<hbm>>
    tpu.enqueue_indirect_dma source(%dma_start3A_143 : memref<1000000x64xf32, #tpu.memory_space<hbm>>) target(%dma_start3A_140 : memref<16x64xf32, #tpu.memory_space<vmem>>) offsets(%get3A_135 : vector<16xi32>) semaphore(%arg7 : memref<!tpu.dma_semaphore, #tpu.memory_space<semaphore_mem>>)
    %get3A_144 = arith.constant 208 : index
    %get3A_145 = tpu.vector_load %arg5[%get3A_144] {strides = array<i32>} : memref<25600xi32, #tpu.memory_space<vmem>>, vector<16xi32>,
    %get3A_146 = vector.shape_cast %get3A_145 : vector<16xi32> to vector<16xi32>
    %dma_start3A_147 = arith.constant 0 : i32
    %dma_start3A_148 = arith.constant 208 : i32
    %dma_start3A_149 = arith.constant 0 : i32
    %dma_start3A_150 = tpu.memref_slice %arg6[%dma_start3A_147, %dma_start3A_148, %dma_start3A_149] : memref<2x256x64xf32, #tpu.memory_space<vmem>> -> memref<1x16x64xf32, #tpu.memory_space<vmem>>
    %dma_start3A_151 = tpu.memref_squeeze %dma_start3A_150 : memref<1x16x64xf32, #tpu.memory_space<vmem>> -> memref<16x64xf32, #tpu.memory_space<vmem>>
    %dma_start3A_152 = arith.constant 0 : i32
    %dma_start3A_153 = arith.constant 0 : i32
    %dma_start3A_154 = tpu.memref_slice %arg3[%dma_start3A_152, %dma_start3A_153] : memref<1000000x64xf32, #tpu.memory_space<hbm>> -> memref<1000000x64xf32, #tpu.memory_space<hbm>>
    tpu.enqueue_indirect_dma source(%dma_start3A_154 : memref<1000000x64xf32, #tpu.memory_space<hbm>>) target(%dma_start3A_151 : memref<16x64xf32, #tpu.memory_space<vmem>>) offsets(%get3A_146 : vector<16xi32>) semaphore(%arg7 : memref<!tpu.dma_semaphore, #tpu.memory_space<semaphore_mem>>)
    %get3A_155 = arith.constant 224 : index
    %get3A_156 = tpu.vector_load %arg5[%get3A_155] {strides = array<i32>} : memref<25600xi32, #tpu.memory_space<vmem>>, vector<16xi32>,
    %get3A_157 = vector.shape_cast %get3A_156 : vector<16xi32> to vector<16xi32>
    %dma_start3A_158 = arith.constant 0 : i32
    %dma_start3A_159 = arith.constant 224 : i32
    %dma_start3A_160 = arith.constant 0 : i32
    %dma_start3A_161 = tpu.memref_slice %arg6[%dma_start3A_158, %dma_start3A_159, %dma_start3A_160] : memref<2x256x64xf32, #tpu.memory_space<vmem>> -> memref<1x16x64xf32, #tpu.memory_space<vmem>>
    %dma_start3A_162 = tpu.memref_squeeze %dma_start3A_161 : memref<1x16x64xf32, #tpu.memory_space<vmem>> -> memref<16x64xf32, #tpu.memory_space<vmem>>
    %dma_start3A_163 = arith.constant 0 : i32
    %dma_start3A_164 = arith.constant 0 : i32
    %dma_start3A_165 = tpu.memref_slice %arg3[%dma_start3A_163, %dma_start3A_164] : memref<1000000x64xf32, #tpu.memory_space<hbm>> -> memref<1000000x64xf32, #tpu.memory_space<hbm>>
    tpu.enqueue_indirect_dma source(%dma_start3A_165 : memref<1000000x64xf32, #tpu.memory_space<hbm>>) target(%dma_start3A_162 : memref<16x64xf32, #tpu.memory_space<vmem>>) offsets(%get3A_157 : vector<16xi32>) semaphore(%arg7 : memref<!tpu.dma_semaphore, #tpu.memory_space<semaphore_mem>>)
    %get3A_166 = arith.constant 240 : index
    %get3A_167 = tpu.vector_load %arg5[%get3A_166] {strides = array<i32>} : memref<25600xi32, #tpu.memory_space<vmem>>, vector<16xi32>,
    %get3A_168 = vector.shape_cast %get3A_167 : vector<16xi32> to vector<16xi32>
    %dma_start3A_169 = arith.constant 0 : i32
    %dma_start3A_170 = arith.constant 240 : i32
    %dma_start3A_171 = arith.constant 0 : i32
    %dma_start3A_172 = tpu.memref_slice %arg6[%dma_start3A_169, %dma_start3A_170, %dma_start3A_171] : memref<2x256x64xf32, #tpu.memory_space<vmem>> -> memref<1x16x64xf32, #tpu.memory_space<vmem>>
    %dma_start3A_173 = tpu.memref_squeeze %dma_start3A_172 : memref<1x16x64xf32, #tpu.memory_space<vmem>> -> memref<16x64xf32, #tpu.memory_space<vmem>>
    %dma_start3A_174 = arith.constant 0 : i32
    %dma_start3A_175 = arith.constant 0 : i32
    %dma_start3A_176 = tpu.memref_slice %arg3[%dma_start3A_174, %dma_start3A_175] : memref<1000000x64xf32, #tpu.memory_space<hbm>> -> memref<1000000x64xf32, #tpu.memory_space<hbm>>
    tpu.enqueue_indirect_dma source(%dma_start3A_176 : memref<1000000x64xf32, #tpu.memory_space<hbm>>) target(%dma_start3A_173 : memref<16x64xf32, #tpu.memory_space<vmem>>) offsets(%get3A_168 : vector<16xi32>) semaphore(%arg7 : memref<!tpu.dma_semaphore, #tpu.memory_space<semaphore_mem>>)
    %scan3A = arith.constant 0 : i32
    %scan3A_177 = arith.constant 0 : i32
    %scan3A_178 = arith.constant 50 : i32
    %scan3A_179 = arith.addi %scan3A_177, %scan3A_178 : i32
    %scan3A_180 = arith.constant 1 : i32
    scf.for %scan3A_207 = %scan3A_177 to %scan3A_179 step %scan3A_180  : i32 {
      %mul3A_208 = arith.constant 2 : i32
      %mul3A_209 = arith.muli %scan3A_207, %mul3A_208 : i32
      %add3A_210 = arith.constant 0 : i32
      %add3A_211 = arith.addi %mul3A_209, %add3A_210 : i32
      %add3A_212 = arith.constant 1 : i32
      %add3A_213 = arith.addi %add3A_211, %add3A_212 : i32
      %lt3A = arith.constant 100 : i32
      %lt3A_214 = arith.cmpi slt, %add3A_213, %lt3A : i32
      %convert_element_type3A = arith.extui %lt3A_214 : i1 to i32
      %cond3A = arith.constant 0 : i32
      %cond3A_215 = arith.cmpi ne, %convert_element_type3A, %cond3A : i32
      scf.if %cond3A_215 {
        %ge3A = arith.constant 1 : i32
        %ge3A_611 = arith.cmpi sge, %add3A_211, %ge3A : i32
        %convert_element_type3A_612 = arith.extui %ge3A_611 : i1 to i32
        %cond3A_613 = arith.constant 0 : i32
        %cond3A_614 = arith.cmpi ne, %convert_element_type3A_612, %cond3A_613 : i32
        scf.if %cond3A_614 {
          %dma_wait3A_857 = arith.constant 1 : i32
          %dma_wait3A_858 = arith.constant 0 : i32
          %dma_wait3A_859 = arith.constant 0 : i32
          %dma_wait3A_860 = tpu.memref_slice %arg6[%dma_wait3A_857, %dma_wait3A_858, %dma_wait3A_859] : memref<2x256x64xf32, #tpu.memory_space<vmem>> -> memref<1x256x64xf32, #tpu.memory_space<vmem>>
          %dma_wait3A_861 = tpu.memref_squeeze %dma_wait3A_860 : memref<1x256x64xf32, #tpu.memory_space<vmem>> -> memref<256x64xf32, #tpu.memory_space<vmem>>
          %dma_wait3A_862 = arith.constant 0 : i32
          %dma_wait3A_863 = tpu.memref_slice %arg4[%mul3A_2, %dma_wait3A_862] : memref<819200x64xf32, #tpu.memory_space<hbm>> -> memref<256x64xf32, #tpu.memory_space<hbm>>
          %dma_wait3A_864 = arith.constant 0 : i32
          %dma_wait3A_865 = tpu.memref_slice %arg4[%mul3A_2, %dma_wait3A_864] : memref<819200x64xf32, #tpu.memory_space<hbm>> -> memref<256x64xf32, #tpu.memory_space<hbm>>
          %dma_wait3A_866 = arith.constant 0 : i32
          %dma_wait3A_867 = arith.constant 0 : i32
          %dma_wait3A_868 = tpu.memref_slice %arg6[%dma_wait3A_857, %dma_wait3A_866, %dma_wait3A_867] : memref<2x256x64xf32, #tpu.memory_space<vmem>> -> memref<1x256x64xf32, #tpu.memory_space<vmem>>
          %dma_wait3A_869 = tpu.memref_squeeze %dma_wait3A_868 : memref<1x256x64xf32, #tpu.memory_space<vmem>> -> memref<256x64xf32, #tpu.memory_space<vmem>>
          tpu.wait_dma2 semaphore(%arg8 : memref<!tpu.dma_semaphore, #tpu.memory_space<semaphore_mem>>) src(%dma_wait3A_869 : memref<256x64xf32, #tpu.memory_space<vmem>>) dst(%dma_wait3A_865 : memref<256x64xf32, #tpu.memory_space<hbm>>)
        } else {
        }
        %add3A_615 = arith.constant 1 : i32
        %add3A_616 = arith.addi %add3A_211, %add3A_615 : i32
        %mul3A_617 = arith.constant 256 : i32
        %mul3A_618 = arith.muli %add3A_616, %mul3A_617 : i32
        %add3A_619 = arith.constant 0 : i32
        %add3A_620 = arith.addi %mul3A_618, %add3A_619 : i32
        %get3A_621 = arith.index_cast %add3A_620 : i32 to index
        %get3A_622 = tpu.vector_load %arg5[%get3A_621] {strides = array<i32>} : memref<25600xi32, #tpu.memory_space<vmem>>, vector<16xi32>,
        %get3A_623 = vector.shape_cast %get3A_622 : vector<16xi32> to vector<16xi32>
        %dma_start3A_624 = arith.constant 1 : i32
        %dma_start3A_625 = arith.constant 0 : i32
        %dma_start3A_626 = arith.constant 0 : i32
        %dma_start3A_627 = tpu.memref_slice %arg6[%dma_start3A_624, %dma_start3A_625, %dma_start3A_626] : memref<2x256x64xf32, #tpu.memory_space<vmem>> -> memref<1x16x64xf32, #tpu.memory_space<vmem>>
        %dma_start3A_628 = tpu.memref_squeeze %dma_start3A_627 : memref<1x16x64xf32, #tpu.memory_space<vmem>> -> memref<16x64xf32, #tpu.memory_space<vmem>>
        %dma_start3A_629 = arith.constant 0 : i32
        %dma_start3A_630 = arith.constant 0 : i32
        %dma_start3A_631 = tpu.memref_slice %arg3[%dma_start3A_629, %dma_start3A_630] : memref<1000000x64xf32, #tpu.memory_space<hbm>> -> memref<1000000x64xf32, #tpu.memory_space<hbm>>
        tpu.enqueue_indirect_dma source(%dma_start3A_631 : memref<1000000x64xf32, #tpu.memory_space<hbm>>) target(%dma_start3A_628 : memref<16x64xf32, #tpu.memory_space<vmem>>) offsets(%get3A_623 : vector<16xi32>) semaphore(%arg7 : memref<!tpu.dma_semaphore, #tpu.memory_space<semaphore_mem>>)
        %mul3A_632 = arith.constant 256 : i32
        %mul3A_633 = arith.muli %add3A_616, %mul3A_632 : i32
        %add3A_634 = arith.constant 16 : i32
        %add3A_635 = arith.addi %mul3A_633, %add3A_634 : i32
        %get3A_636 = arith.index_cast %add3A_635 : i32 to index
        %get3A_637 = tpu.vector_load %arg5[%get3A_636] {strides = array<i32>} : memref<25600xi32, #tpu.memory_space<vmem>>, vector<16xi32>,
        %get3A_638 = vector.shape_cast %get3A_637 : vector<16xi32> to vector<16xi32>
        %dma_start3A_639 = arith.constant 1 : i32
        %dma_start3A_640 = arith.constant 16 : i32
        %dma_start3A_641 = arith.constant 0 : i32
        %dma_start3A_642 = tpu.memref_slice %arg6[%dma_start3A_639, %dma_start3A_640, %dma_start3A_641] : memref<2x256x64xf32, #tpu.memory_space<vmem>> -> memref<1x16x64xf32, #tpu.memory_space<vmem>>
        %dma_start3A_643 = tpu.memref_squeeze %dma_start3A_642 : memref<1x16x64xf32, #tpu.memory_space<vmem>> -> memref<16x64xf32, #tpu.memory_space<vmem>>
        %dma_start3A_644 = arith.constant 0 : i32
        %dma_start3A_645 = arith.constant 0 : i32
        %dma_start3A_646 = tpu.memref_slice %arg3[%dma_start3A_644, %dma_start3A_645] : memref<1000000x64xf32, #tpu.memory_space<hbm>> -> memref<1000000x64xf32, #tpu.memory_space<hbm>>
        tpu.enqueue_indirect_dma source(%dma_start3A_646 : memref<1000000x64xf32, #tpu.memory_space<hbm>>) target(%dma_start3A_643 : memref<16x64xf32, #tpu.memory_space<vmem>>) offsets(%get3A_638 : vector<16xi32>) semaphore(%arg7 : memref<!tpu.dma_semaphore, #tpu.memory_space<semaphore_mem>>)
        %mul3A_647 = arith.constant 256 : i32
        %mul3A_648 = arith.muli %add3A_616, %mul3A_647 : i32
        %add3A_649 = arith.constant 32 : i32
        %add3A_650 = arith.addi %mul3A_648, %add3A_649 : i32
        %get3A_651 = arith.index_cast %add3A_650 : i32 to index
        %get3A_652 = tpu.vector_load %arg5[%get3A_651] {strides = array<i32>} : memref<25600xi32, #tpu.memory_space<vmem>>, vector<16xi32>,
        %get3A_653 = vector.shape_cast %get3A_652 : vector<16xi32> to vector<16xi32>
        %dma_start3A_654 = arith.constant 1 : i32
        %dma_start3A_655 = arith.constant 32 : i32
        %dma_start3A_656 = arith.constant 0 : i32
        %dma_start3A_657 = tpu.memref_slice %arg6[%dma_start3A_654, %dma_start3A_655, %dma_start3A_656] : memref<2x256x64xf32, #tpu.memory_space<vmem>> -> memref<1x16x64xf32, #tpu.memory_space<vmem>>
        %dma_start3A_658 = tpu.memref_squeeze %dma_start3A_657 : memref<1x16x64xf32, #tpu.memory_space<vmem>> -> memref<16x64xf32, #tpu.memory_space<vmem>>
        %dma_start3A_659 = arith.constant 0 : i32
        %dma_start3A_660 = arith.constant 0 : i32
        %dma_start3A_661 = tpu.memref_slice %arg3[%dma_start3A_659, %dma_start3A_660] : memref<1000000x64xf32, #tpu.memory_space<hbm>> -> memref<1000000x64xf32, #tpu.memory_space<hbm>>
        tpu.enqueue_indirect_dma source(%dma_start3A_661 : memref<1000000x64xf32, #tpu.memory_space<hbm>>) target(%dma_start3A_658 : memref<16x64xf32, #tpu.memory_space<vmem>>) offsets(%get3A_653 : vector<16xi32>) semaphore(%arg7 : memref<!tpu.dma_semaphore, #tpu.memory_space<semaphore_mem>>)
        %mul3A_662 = arith.constant 256 : i32
        %mul3A_663 = arith.muli %add3A_616, %mul3A_662 : i32
        %add3A_664 = arith.constant 48 : i32
        %add3A_665 = arith.addi %mul3A_663, %add3A_664 : i32
        %get3A_666 = arith.index_cast %add3A_665 : i32 to index
        %get3A_667 = tpu.vector_load %arg5[%get3A_666] {strides = array<i32>} : memref<25600xi32, #tpu.memory_space<vmem>>, vector<16xi32>,
        %get3A_668 = vector.shape_cast %get3A_667 : vector<16xi32> to vector<16xi32>
        %dma_start3A_669 = arith.constant 1 : i32
        %dma_start3A_670 = arith.constant 48 : i32
        %dma_start3A_671 = arith.constant 0 : i32
        %dma_start3A_672 = tpu.memref_slice %arg6[%dma_start3A_669, %dma_start3A_670, %dma_start3A_671] : memref<2x256x64xf32, #tpu.memory_space<vmem>> -> memref<1x16x64xf32, #tpu.memory_space<vmem>>
        %dma_start3A_673 = tpu.memref_squeeze %dma_start3A_672 : memref<1x16x64xf32, #tpu.memory_space<vmem>> -> memref<16x64xf32, #tpu.memory_space<vmem>>
        %dma_start3A_674 = arith.constant 0 : i32
        %dma_start3A_675 = arith.constant 0 : i32
        %dma_start3A_676 = tpu.memref_slice %arg3[%dma_start3A_674, %dma_start3A_675] : memref<1000000x64xf32, #tpu.memory_space<hbm>> -> memref<1000000x64xf32, #tpu.memory_space<hbm>>
        tpu.enqueue_indirect_dma source(%dma_start3A_676 : memref<1000000x64xf32, #tpu.memory_space<hbm>>) target(%dma_start3A_673 : memref<16x64xf32, #tpu.memory_space<vmem>>) offsets(%get3A_668 : vector<16xi32>) semaphore(%arg7 : memref<!tpu.dma_semaphore, #tpu.memory_space<semaphore_mem>>)
        %mul3A_677 = arith.constant 256 : i32
        %mul3A_678 = arith.muli %add3A_616, %mul3A_677 : i32
        %add3A_679 = arith.constant 64 : i32
        %add3A_680 = arith.addi %mul3A_678, %add3A_679 : i32
        %get3A_681 = arith.index_cast %add3A_680 : i32 to index
        %get3A_682 = tpu.vector_load %arg5[%get3A_681] {strides = array<i32>} : memref<25600xi32, #tpu.memory_space<vmem>>, vector<16xi32>,
        %get3A_683 = vector.shape_cast %get3A_682 : vector<16xi32> to vector<16xi32>
        %dma_start3A_684 = arith.constant 1 : i32
        %dma_start3A_685 = arith.constant 64 : i32
        %dma_start3A_686 = arith.constant 0 : i32
        %dma_start3A_687 = tpu.memref_slice %arg6[%dma_start3A_684, %dma_start3A_685, %dma_start3A_686] : memref<2x256x64xf32, #tpu.memory_space<vmem>> -> memref<1x16x64xf32, #tpu.memory_space<vmem>>
        %dma_start3A_688 = tpu.memref_squeeze %dma_start3A_687 : memref<1x16x64xf32, #tpu.memory_space<vmem>> -> memref<16x64xf32, #tpu.memory_space<vmem>>
        %dma_start3A_689 = arith.constant 0 : i32
        %dma_start3A_690 = arith.constant 0 : i32
        %dma_start3A_691 = tpu.memref_slice %arg3[%dma_start3A_689, %dma_start3A_690] : memref<1000000x64xf32, #tpu.memory_space<hbm>> -> memref<1000000x64xf32, #tpu.memory_space<hbm>>
        tpu.enqueue_indirect_dma source(%dma_start3A_691 : memref<1000000x64xf32, #tpu.memory_space<hbm>>) target(%dma_start3A_688 : memref<16x64xf32, #tpu.memory_space<vmem>>) offsets(%get3A_683 : vector<16xi32>) semaphore(%arg7 : memref<!tpu.dma_semaphore, #tpu.memory_space<semaphore_mem>>)
        %mul3A_692 = arith.constant 256 : i32
        %mul3A_693 = arith.muli %add3A_616, %mul3A_692 : i32
        %add3A_694 = arith.constant 80 : i32
        %add3A_695 = arith.addi %mul3A_693, %add3A_694 : i32
        %get3A_696 = arith.index_cast %add3A_695 : i32 to index
        %get3A_697 = tpu.vector_load %arg5[%get3A_696] {strides = array<i32>} : memref<25600xi32, #tpu.memory_space<vmem>>, vector<16xi32>,
        %get3A_698 = vector.shape_cast %get3A_697 : vector<16xi32> to vector<16xi32>
        %dma_start3A_699 = arith.constant 1 : i32
        %dma_start3A_700 = arith.constant 80 : i32
        %dma_start3A_701 = arith.constant 0 : i32
        %dma_start3A_702 = tpu.memref_slice %arg6[%dma_start3A_699, %dma_start3A_700, %dma_start3A_701] : memref<2x256x64xf32, #tpu.memory_space<vmem>> -> memref<1x16x64xf32, #tpu.memory_space<vmem>>
        %dma_start3A_703 = tpu.memref_squeeze %dma_start3A_702 : memref<1x16x64xf32, #tpu.memory_space<vmem>> -> memref<16x64xf32, #tpu.memory_space<vmem>>
        %dma_start3A_704 = arith.constant 0 : i32
        %dma_start3A_705 = arith.constant 0 : i32
        %dma_start3A_706 = tpu.memref_slice %arg3[%dma_start3A_704, %dma_start3A_705] : memref<1000000x64xf32, #tpu.memory_space<hbm>> -> memref<1000000x64xf32, #tpu.memory_space<hbm>>
        tpu.enqueue_indirect_dma source(%dma_start3A_706 : memref<1000000x64xf32, #tpu.memory_space<hbm>>) target(%dma_start3A_703 : memref<16x64xf32, #tpu.memory_space<vmem>>) offsets(%get3A_698 : vector<16xi32>) semaphore(%arg7 : memref<!tpu.dma_semaphore, #tpu.memory_space<semaphore_mem>>)
        %mul3A_707 = arith.constant 256 : i32
        %mul3A_708 = arith.muli %add3A_616, %mul3A_707 : i32
        %add3A_709 = arith.constant 96 : i32
        %add3A_710 = arith.addi %mul3A_708, %add3A_709 : i32
        %get3A_711 = arith.index_cast %add3A_710 : i32 to index
        %get3A_712 = tpu.vector_load %arg5[%get3A_711] {strides = array<i32>} : memref<25600xi32, #tpu.memory_space<vmem>>, vector<16xi32>,
        %get3A_713 = vector.shape_cast %get3A_712 : vector<16xi32> to vector<16xi32>
        %dma_start3A_714 = arith.constant 1 : i32
        %dma_start3A_715 = arith.constant 96 : i32
        %dma_start3A_716 = arith.constant 0 : i32
        %dma_start3A_717 = tpu.memref_slice %arg6[%dma_start3A_714, %dma_start3A_715, %dma_start3A_716] : memref<2x256x64xf32, #tpu.memory_space<vmem>> -> memref<1x16x64xf32, #tpu.memory_space<vmem>>
        %dma_start3A_718 = tpu.memref_squeeze %dma_start3A_717 : memref<1x16x64xf32, #tpu.memory_space<vmem>> -> memref<16x64xf32, #tpu.memory_space<vmem>>
        %dma_start3A_719 = arith.constant 0 : i32
        %dma_start3A_720 = arith.constant 0 : i32
        %dma_start3A_721 = tpu.memref_slice %arg3[%dma_start3A_719, %dma_start3A_720] : memref<1000000x64xf32, #tpu.memory_space<hbm>> -> memref<1000000x64xf32, #tpu.memory_space<hbm>>
        tpu.enqueue_indirect_dma source(%dma_start3A_721 : memref<1000000x64xf32, #tpu.memory_space<hbm>>) target(%dma_start3A_718 : memref<16x64xf32, #tpu.memory_space<vmem>>) offsets(%get3A_713 : vector<16xi32>) semaphore(%arg7 : memref<!tpu.dma_semaphore, #tpu.memory_space<semaphore_mem>>)
        %mul3A_722 = arith.constant 256 : i32
        %mul3A_723 = arith.muli %add3A_616, %mul3A_722 : i32
        %add3A_724 = arith.constant 112 : i32
        %add3A_725 = arith.addi %mul3A_723, %add3A_724 : i32
        %get3A_726 = arith.index_cast %add3A_725 : i32 to index
        %get3A_727 = tpu.vector_load %arg5[%get3A_726] {strides = array<i32>} : memref<25600xi32, #tpu.memory_space<vmem>>, vector<16xi32>,
        %get3A_728 = vector.shape_cast %get3A_727 : vector<16xi32> to vector<16xi32>
        %dma_start3A_729 = arith.constant 1 : i32
        %dma_start3A_730 = arith.constant 112 : i32
        %dma_start3A_731 = arith.constant 0 : i32
        %dma_start3A_732 = tpu.memref_slice %arg6[%dma_start3A_729, %dma_start3A_730, %dma_start3A_731] : memref<2x256x64xf32, #tpu.memory_space<vmem>> -> memref<1x16x64xf32, #tpu.memory_space<vmem>>
        %dma_start3A_733 = tpu.memref_squeeze %dma_start3A_732 : memref<1x16x64xf32, #tpu.memory_space<vmem>> -> memref<16x64xf32, #tpu.memory_space<vmem>>
        %dma_start3A_734 = arith.constant 0 : i32
        %dma_start3A_735 = arith.constant 0 : i32
        %dma_start3A_736 = tpu.memref_slice %arg3[%dma_start3A_734, %dma_start3A_735] : memref<1000000x64xf32, #tpu.memory_space<hbm>> -> memref<1000000x64xf32, #tpu.memory_space<hbm>>
        tpu.enqueue_indirect_dma source(%dma_start3A_736 : memref<1000000x64xf32, #tpu.memory_space<hbm>>) target(%dma_start3A_733 : memref<16x64xf32, #tpu.memory_space<vmem>>) offsets(%get3A_728 : vector<16xi32>) semaphore(%arg7 : memref<!tpu.dma_semaphore, #tpu.memory_space<semaphore_mem>>)
        %mul3A_737 = arith.constant 256 : i32
        %mul3A_738 = arith.muli %add3A_616, %mul3A_737 : i32
        %add3A_739 = arith.constant 128 : i32
        %add3A_740 = arith.addi %mul3A_738, %add3A_739 : i32
        %get3A_741 = arith.index_cast %add3A_740 : i32 to index
        %get3A_742 = tpu.vector_load %arg5[%get3A_741] {strides = array<i32>} : memref<25600xi32, #tpu.memory_space<vmem>>, vector<16xi32>,
        %get3A_743 = vector.shape_cast %get3A_742 : vector<16xi32> to vector<16xi32>
        %dma_start3A_744 = arith.constant 1 : i32
        %dma_start3A_745 = arith.constant 128 : i32
        %dma_start3A_746 = arith.constant 0 : i32
        %dma_start3A_747 = tpu.memref_slice %arg6[%dma_start3A_744, %dma_start3A_745, %dma_start3A_746] : memref<2x256x64xf32, #tpu.memory_space<vmem>> -> memref<1x16x64xf32, #tpu.memory_space<vmem>>
        %dma_start3A_748 = tpu.memref_squeeze %dma_start3A_747 : memref<1x16x64xf32, #tpu.memory_space<vmem>> -> memref<16x64xf32, #tpu.memory_space<vmem>>
        %dma_start3A_749 = arith.constant 0 : i32
        %dma_start3A_750 = arith.constant 0 : i32
        %dma_start3A_751 = tpu.memref_slice %arg3[%dma_start3A_749, %dma_start3A_750] : memref<1000000x64xf32, #tpu.memory_space<hbm>> -> memref<1000000x64xf32, #tpu.memory_space<hbm>>
        tpu.enqueue_indirect_dma source(%dma_start3A_751 : memref<1000000x64xf32, #tpu.memory_space<hbm>>) target(%dma_start3A_748 : memref<16x64xf32, #tpu.memory_space<vmem>>) offsets(%get3A_743 : vector<16xi32>) semaphore(%arg7 : memref<!tpu.dma_semaphore, #tpu.memory_space<semaphore_mem>>)
        %mul3A_752 = arith.constant 256 : i32
        %mul3A_753 = arith.muli %add3A_616, %mul3A_752 : i32
        %add3A_754 = arith.constant 144 : i32
        %add3A_755 = arith.addi %mul3A_753, %add3A_754 : i32
        %get3A_756 = arith.index_cast %add3A_755 : i32 to index
        %get3A_757 = tpu.vector_load %arg5[%get3A_756] {strides = array<i32>} : memref<25600xi32, #tpu.memory_space<vmem>>, vector<16xi32>,
        %get3A_758 = vector.shape_cast %get3A_757 : vector<16xi32> to vector<16xi32>
        %dma_start3A_759 = arith.constant 1 : i32
        %dma_start3A_760 = arith.constant 144 : i32
        %dma_start3A_761 = arith.constant 0 : i32
        %dma_start3A_762 = tpu.memref_slice %arg6[%dma_start3A_759, %dma_start3A_760, %dma_start3A_761] : memref<2x256x64xf32, #tpu.memory_space<vmem>> -> memref<1x16x64xf32, #tpu.memory_space<vmem>>
        %dma_start3A_763 = tpu.memref_squeeze %dma_start3A_762 : memref<1x16x64xf32, #tpu.memory_space<vmem>> -> memref<16x64xf32, #tpu.memory_space<vmem>>
        %dma_start3A_764 = arith.constant 0 : i32
        %dma_start3A_765 = arith.constant 0 : i32
        %dma_start3A_766 = tpu.memref_slice %arg3[%dma_start3A_764, %dma_start3A_765] : memref<1000000x64xf32, #tpu.memory_space<hbm>> -> memref<1000000x64xf32, #tpu.memory_space<hbm>>
        tpu.enqueue_indirect_dma source(%dma_start3A_766 : memref<1000000x64xf32, #tpu.memory_space<hbm>>) target(%dma_start3A_763 : memref<16x64xf32, #tpu.memory_space<vmem>>) offsets(%get3A_758 : vector<16xi32>) semaphore(%arg7 : memref<!tpu.dma_semaphore, #tpu.memory_space<semaphore_mem>>)
        %mul3A_767 = arith.constant 256 : i32
        %mul3A_768 = arith.muli %add3A_616, %mul3A_767 : i32
        %add3A_769 = arith.constant 160 : i32
        %add3A_770 = arith.addi %mul3A_768, %add3A_769 : i32
        %get3A_771 = arith.index_cast %add3A_770 : i32 to index
        %get3A_772 = tpu.vector_load %arg5[%get3A_771] {strides = array<i32>} : memref<25600xi32, #tpu.memory_space<vmem>>, vector<16xi32>,
        %get3A_773 = vector.shape_cast %get3A_772 : vector<16xi32> to vector<16xi32>
        %dma_start3A_774 = arith.constant 1 : i32
        %dma_start3A_775 = arith.constant 160 : i32
        %dma_start3A_776 = arith.constant 0 : i32
        %dma_start3A_777 = tpu.memref_slice %arg6[%dma_start3A_774, %dma_start3A_775, %dma_start3A_776] : memref<2x256x64xf32, #tpu.memory_space<vmem>> -> memref<1x16x64xf32, #tpu.memory_space<vmem>>
        %dma_start3A_778 = tpu.memref_squeeze %dma_start3A_777 : memref<1x16x64xf32, #tpu.memory_space<vmem>> -> memref<16x64xf32, #tpu.memory_space<vmem>>
        %dma_start3A_779 = arith.constant 0 : i32
        %dma_start3A_780 = arith.constant 0 : i32
        %dma_start3A_781 = tpu.memref_slice %arg3[%dma_start3A_779, %dma_start3A_780] : memref<1000000x64xf32, #tpu.memory_space<hbm>> -> memref<1000000x64xf32, #tpu.memory_space<hbm>>
        tpu.enqueue_indirect_dma source(%dma_start3A_781 : memref<1000000x64xf32, #tpu.memory_space<hbm>>) target(%dma_start3A_778 : memref<16x64xf32, #tpu.memory_space<vmem>>) offsets(%get3A_773 : vector<16xi32>) semaphore(%arg7 : memref<!tpu.dma_semaphore, #tpu.memory_space<semaphore_mem>>)
        %mul3A_782 = arith.constant 256 : i32
        %mul3A_783 = arith.muli %add3A_616, %mul3A_782 : i32
        %add3A_784 = arith.constant 176 : i32
        %add3A_785 = arith.addi %mul3A_783, %add3A_784 : i32
        %get3A_786 = arith.index_cast %add3A_785 : i32 to index
        %get3A_787 = tpu.vector_load %arg5[%get3A_786] {strides = array<i32>} : memref<25600xi32, #tpu.memory_space<vmem>>, vector<16xi32>,
        %get3A_788 = vector.shape_cast %get3A_787 : vector<16xi32> to vector<16xi32>
        %dma_start3A_789 = arith.constant 1 : i32
        %dma_start3A_790 = arith.constant 176 : i32
        %dma_start3A_791 = arith.constant 0 : i32
        %dma_start3A_792 = tpu.memref_slice %arg6[%dma_start3A_789, %dma_start3A_790, %dma_start3A_791] : memref<2x256x64xf32, #tpu.memory_space<vmem>> -> memref<1x16x64xf32, #tpu.memory_space<vmem>>
        %dma_start3A_793 = tpu.memref_squeeze %dma_start3A_792 : memref<1x16x64xf32, #tpu.memory_space<vmem>> -> memref<16x64xf32, #tpu.memory_space<vmem>>
        %dma_start3A_794 = arith.constant 0 : i32
        %dma_start3A_795 = arith.constant 0 : i32
        %dma_start3A_796 = tpu.memref_slice %arg3[%dma_start3A_794, %dma_start3A_795] : memref<1000000x64xf32, #tpu.memory_space<hbm>> -> memref<1000000x64xf32, #tpu.memory_space<hbm>>
        tpu.enqueue_indirect_dma source(%dma_start3A_796 : memref<1000000x64xf32, #tpu.memory_space<hbm>>) target(%dma_start3A_793 : memref<16x64xf32, #tpu.memory_space<vmem>>) offsets(%get3A_788 : vector<16xi32>) semaphore(%arg7 : memref<!tpu.dma_semaphore, #tpu.memory_space<semaphore_mem>>)
        %mul3A_797 = arith.constant 256 : i32
        %mul3A_798 = arith.muli %add3A_616, %mul3A_797 : i32
        %add3A_799 = arith.constant 192 : i32
        %add3A_800 = arith.addi %mul3A_798, %add3A_799 : i32
        %get3A_801 = arith.index_cast %add3A_800 : i32 to index
        %get3A_802 = tpu.vector_load %arg5[%get3A_801] {strides = array<i32>} : memref<25600xi32, #tpu.memory_space<vmem>>, vector<16xi32>,
        %get3A_803 = vector.shape_cast %get3A_802 : vector<16xi32> to vector<16xi32>
        %dma_start3A_804 = arith.constant 1 : i32
        %dma_start3A_805 = arith.constant 192 : i32
        %dma_start3A_806 = arith.constant 0 : i32
        %dma_start3A_807 = tpu.memref_slice %arg6[%dma_start3A_804, %dma_start3A_805, %dma_start3A_806] : memref<2x256x64xf32, #tpu.memory_space<vmem>> -> memref<1x16x64xf32, #tpu.memory_space<vmem>>
        %dma_start3A_808 = tpu.memref_squeeze %dma_start3A_807 : memref<1x16x64xf32, #tpu.memory_space<vmem>> -> memref<16x64xf32, #tpu.memory_space<vmem>>
        %dma_start3A_809 = arith.constant 0 : i32
        %dma_start3A_810 = arith.constant 0 : i32
        %dma_start3A_811 = tpu.memref_slice %arg3[%dma_start3A_809, %dma_start3A_810] : memref<1000000x64xf32, #tpu.memory_space<hbm>> -> memref<1000000x64xf32, #tpu.memory_space<hbm>>
        tpu.enqueue_indirect_dma source(%dma_start3A_811 : memref<1000000x64xf32, #tpu.memory_space<hbm>>) target(%dma_start3A_808 : memref<16x64xf32, #tpu.memory_space<vmem>>) offsets(%get3A_803 : vector<16xi32>) semaphore(%arg7 : memref<!tpu.dma_semaphore, #tpu.memory_space<semaphore_mem>>)
        %mul3A_812 = arith.constant 256 : i32
        %mul3A_813 = arith.muli %add3A_616, %mul3A_812 : i32
        %add3A_814 = arith.constant 208 : i32
        %add3A_815 = arith.addi %mul3A_813, %add3A_814 : i32
        %get3A_816 = arith.index_cast %add3A_815 : i32 to index
        %get3A_817 = tpu.vector_load %arg5[%get3A_816] {strides = array<i32>} : memref<25600xi32, #tpu.memory_space<vmem>>, vector<16xi32>,
        %get3A_818 = vector.shape_cast %get3A_817 : vector<16xi32> to vector<16xi32>
        %dma_start3A_819 = arith.constant 1 : i32
        %dma_start3A_820 = arith.constant 208 : i32
        %dma_start3A_821 = arith.constant 0 : i32
        %dma_start3A_822 = tpu.memref_slice %arg6[%dma_start3A_819, %dma_start3A_820, %dma_start3A_821] : memref<2x256x64xf32, #tpu.memory_space<vmem>> -> memref<1x16x64xf32, #tpu.memory_space<vmem>>
        %dma_start3A_823 = tpu.memref_squeeze %dma_start3A_822 : memref<1x16x64xf32, #tpu.memory_space<vmem>> -> memref<16x64xf32, #tpu.memory_space<vmem>>
        %dma_start3A_824 = arith.constant 0 : i32
        %dma_start3A_825 = arith.constant 0 : i32
        %dma_start3A_826 = tpu.memref_slice %arg3[%dma_start3A_824, %dma_start3A_825] : memref<1000000x64xf32, #tpu.memory_space<hbm>> -> memref<1000000x64xf32, #tpu.memory_space<hbm>>
        tpu.enqueue_indirect_dma source(%dma_start3A_826 : memref<1000000x64xf32, #tpu.memory_space<hbm>>) target(%dma_start3A_823 : memref<16x64xf32, #tpu.memory_space<vmem>>) offsets(%get3A_818 : vector<16xi32>) semaphore(%arg7 : memref<!tpu.dma_semaphore, #tpu.memory_space<semaphore_mem>>)
        %mul3A_827 = arith.constant 256 : i32
        %mul3A_828 = arith.muli %add3A_616, %mul3A_827 : i32
        %add3A_829 = arith.constant 224 : i32
        %add3A_830 = arith.addi %mul3A_828, %add3A_829 : i32
        %get3A_831 = arith.index_cast %add3A_830 : i32 to index
        %get3A_832 = tpu.vector_load %arg5[%get3A_831] {strides = array<i32>} : memref<25600xi32, #tpu.memory_space<vmem>>, vector<16xi32>,
        %get3A_833 = vector.shape_cast %get3A_832 : vector<16xi32> to vector<16xi32>
        %dma_start3A_834 = arith.constant 1 : i32
        %dma_start3A_835 = arith.constant 224 : i32
        %dma_start3A_836 = arith.constant 0 : i32
        %dma_start3A_837 = tpu.memref_slice %arg6[%dma_start3A_834, %dma_start3A_835, %dma_start3A_836] : memref<2x256x64xf32, #tpu.memory_space<vmem>> -> memref<1x16x64xf32, #tpu.memory_space<vmem>>
        %dma_start3A_838 = tpu.memref_squeeze %dma_start3A_837 : memref<1x16x64xf32, #tpu.memory_space<vmem>> -> memref<16x64xf32, #tpu.memory_space<vmem>>
        %dma_start3A_839 = arith.constant 0 : i32
        %dma_start3A_840 = arith.constant 0 : i32
        %dma_start3A_841 = tpu.memref_slice %arg3[%dma_start3A_839, %dma_start3A_840] : memref<1000000x64xf32, #tpu.memory_space<hbm>> -> memref<1000000x64xf32, #tpu.memory_space<hbm>>
        tpu.enqueue_indirect_dma source(%dma_start3A_841 : memref<1000000x64xf32, #tpu.memory_space<hbm>>) target(%dma_start3A_838 : memref<16x64xf32, #tpu.memory_space<vmem>>) offsets(%get3A_833 : vector<16xi32>) semaphore(%arg7 : memref<!tpu.dma_semaphore, #tpu.memory_space<semaphore_mem>>)
        %mul3A_842 = arith.constant 256 : i32
        %mul3A_843 = arith.muli %add3A_616, %mul3A_842 : i32
        %add3A_844 = arith.constant 240 : i32
        %add3A_845 = arith.addi %mul3A_843, %add3A_844 : i32
        %get3A_846 = arith.index_cast %add3A_845 : i32 to index
        %get3A_847 = tpu.vector_load %arg5[%get3A_846] {strides = array<i32>} : memref<25600xi32, #tpu.memory_space<vmem>>, vector<16xi32>,
        %get3A_848 = vector.shape_cast %get3A_847 : vector<16xi32> to vector<16xi32>
        %dma_start3A_849 = arith.constant 1 : i32
        %dma_start3A_850 = arith.constant 240 : i32
        %dma_start3A_851 = arith.constant 0 : i32
        %dma_start3A_852 = tpu.memref_slice %arg6[%dma_start3A_849, %dma_start3A_850, %dma_start3A_851] : memref<2x256x64xf32, #tpu.memory_space<vmem>> -> memref<1x16x64xf32, #tpu.memory_space<vmem>>
        %dma_start3A_853 = tpu.memref_squeeze %dma_start3A_852 : memref<1x16x64xf32, #tpu.memory_space<vmem>> -> memref<16x64xf32, #tpu.memory_space<vmem>>
        %dma_start3A_854 = arith.constant 0 : i32
        %dma_start3A_855 = arith.constant 0 : i32
        %dma_start3A_856 = tpu.memref_slice %arg3[%dma_start3A_854, %dma_start3A_855] : memref<1000000x64xf32, #tpu.memory_space<hbm>> -> memref<1000000x64xf32, #tpu.memory_space<hbm>>
        tpu.enqueue_indirect_dma source(%dma_start3A_856 : memref<1000000x64xf32, #tpu.memory_space<hbm>>) target(%dma_start3A_853 : memref<16x64xf32, #tpu.memory_space<vmem>>) offsets(%get3A_848 : vector<16xi32>) semaphore(%arg7 : memref<!tpu.dma_semaphore, #tpu.memory_space<semaphore_mem>>)
      } else {
      }
      %get3A_216 = arith.constant 0 : index
      %get3A_217 = tpu.vector_load %arg5[%get3A_216] {strides = array<i32>} : memref<25600xi32, #tpu.memory_space<vmem>>, vector<16xi32>,
      %get3A_218 = vector.shape_cast %get3A_217 : vector<16xi32> to vector<16xi32>
      %dma_wait3A_219 = arith.constant 0 : i32
      %dma_wait3A_220 = arith.constant 0 : i32
      %dma_wait3A_221 = arith.constant 0 : i32
      %dma_wait3A_222 = tpu.memref_slice %arg6[%dma_wait3A_219, %dma_wait3A_220, %dma_wait3A_221] : memref<2x256x64xf32, #tpu.memory_space<vmem>> -> memref<1x16x64xf32, #tpu.memory_space<vmem>>
      %dma_wait3A_223 = tpu.memref_squeeze %dma_wait3A_222 : memref<1x16x64xf32, #tpu.memory_space<vmem>> -> memref<16x64xf32, #tpu.memory_space<vmem>>
      %dma_wait3A_224 = arith.constant 0 : i32
      %dma_wait3A_225 = arith.constant 0 : i32
      %dma_wait3A_226 = tpu.memref_slice %arg3[%dma_wait3A_224, %dma_wait3A_225] : memref<1000000x64xf32, #tpu.memory_space<hbm>> -> memref<1000000x64xf32, #tpu.memory_space<hbm>>
      tpu.wait_indirect_dma semaphore(%arg7 : memref<!tpu.dma_semaphore, #tpu.memory_space<semaphore_mem>>) src(%dma_wait3A_226 : memref<1000000x64xf32, #tpu.memory_space<hbm>>) dst(%dma_wait3A_223 : memref<16x64xf32, #tpu.memory_space<vmem>>)
      %get3A_227 = arith.constant 0 : index
      %get3A_228 = tpu.vector_load %arg5[%get3A_227] {strides = array<i32>} : memref<25600xi32, #tpu.memory_space<vmem>>, vector<16xi32>,
      %get3A_229 = vector.shape_cast %get3A_228 : vector<16xi32> to vector<16xi32>
      %dma_wait3A_230 = arith.constant 0 : i32
      %dma_wait3A_231 = arith.constant 16 : i32
      %dma_wait3A_232 = arith.constant 0 : i32
      %dma_wait3A_233 = tpu.memref_slice %arg6[%dma_wait3A_230, %dma_wait3A_231, %dma_wait3A_232] : memref<2x256x64xf32, #tpu.memory_space<vmem>> -> memref<1x16x64xf32, #tpu.memory_space<vmem>>
      %dma_wait3A_234 = tpu.memref_squeeze %dma_wait3A_233 : memref<1x16x64xf32, #tpu.memory_space<vmem>> -> memref<16x64xf32, #tpu.memory_space<vmem>>
      %dma_wait3A_235 = arith.constant 0 : i32
      %dma_wait3A_236 = arith.constant 0 : i32
      %dma_wait3A_237 = tpu.memref_slice %arg3[%dma_wait3A_235, %dma_wait3A_236] : memref<1000000x64xf32, #tpu.memory_space<hbm>> -> memref<1000000x64xf32, #tpu.memory_space<hbm>>
      tpu.wait_indirect_dma semaphore(%arg7 : memref<!tpu.dma_semaphore, #tpu.memory_space<semaphore_mem>>) src(%dma_wait3A_237 : memref<1000000x64xf32, #tpu.memory_space<hbm>>) dst(%dma_wait3A_234 : memref<16x64xf32, #tpu.memory_space<vmem>>)
      %get3A_238 = arith.constant 0 : index
      %get3A_239 = tpu.vector_load %arg5[%get3A_238] {strides = array<i32>} : memref<25600xi32, #tpu.memory_space<vmem>>, vector<16xi32>,
      %get3A_240 = vector.shape_cast %get3A_239 : vector<16xi32> to vector<16xi32>
      %dma_wait3A_241 = arith.constant 0 : i32
      %dma_wait3A_242 = arith.constant 32 : i32
      %dma_wait3A_243 = arith.constant 0 : i32
      %dma_wait3A_244 = tpu.memref_slice %arg6[%dma_wait3A_241, %dma_wait3A_242, %dma_wait3A_243] : memref<2x256x64xf32, #tpu.memory_space<vmem>> -> memref<1x16x64xf32, #tpu.memory_space<vmem>>
      %dma_wait3A_245 = tpu.memref_squeeze %dma_wait3A_244 : memref<1x16x64xf32, #tpu.memory_space<vmem>> -> memref<16x64xf32, #tpu.memory_space<vmem>>
      %dma_wait3A_246 = arith.constant 0 : i32
      %dma_wait3A_247 = arith.constant 0 : i32
      %dma_wait3A_248 = tpu.memref_slice %arg3[%dma_wait3A_246, %dma_wait3A_247] : memref<1000000x64xf32, #tpu.memory_space<hbm>> -> memref<1000000x64xf32, #tpu.memory_space<hbm>>
      tpu.wait_indirect_dma semaphore(%arg7 : memref<!tpu.dma_semaphore, #tpu.memory_space<semaphore_mem>>) src(%dma_wait3A_248 : memref<1000000x64xf32, #tpu.memory_space<hbm>>) dst(%dma_wait3A_245 : memref<16x64xf32, #tpu.memory_space<vmem>>)
      %get3A_249 = arith.constant 0 : index
      %get3A_250 = tpu.vector_load %arg5[%get3A_249] {strides = array<i32>} : memref<25600xi32, #tpu.memory_space<vmem>>, vector<16xi32>,
      %get3A_251 = vector.shape_cast %get3A_250 : vector<16xi32> to vector<16xi32>
      %dma_wait3A_252 = arith.constant 0 : i32
      %dma_wait3A_253 = arith.constant 48 : i32
      %dma_wait3A_254 = arith.constant 0 : i32
      %dma_wait3A_255 = tpu.memref_slice %arg6[%dma_wait3A_252, %dma_wait3A_253, %dma_wait3A_254] : memref<2x256x64xf32, #tpu.memory_space<vmem>> -> memref<1x16x64xf32, #tpu.memory_space<vmem>>
      %dma_wait3A_256 = tpu.memref_squeeze %dma_wait3A_255 : memref<1x16x64xf32, #tpu.memory_space<vmem>> -> memref<16x64xf32, #tpu.memory_space<vmem>>
      %dma_wait3A_257 = arith.constant 0 : i32
      %dma_wait3A_258 = arith.constant 0 : i32
      %dma_wait3A_259 = tpu.memref_slice %arg3[%dma_wait3A_257, %dma_wait3A_258] : memref<1000000x64xf32, #tpu.memory_space<hbm>> -> memref<1000000x64xf32, #tpu.memory_space<hbm>>
      tpu.wait_indirect_dma semaphore(%arg7 : memref<!tpu.dma_semaphore, #tpu.memory_space<semaphore_mem>>) src(%dma_wait3A_259 : memref<1000000x64xf32, #tpu.memory_space<hbm>>) dst(%dma_wait3A_256 : memref<16x64xf32, #tpu.memory_space<vmem>>)
      %get3A_260 = arith.constant 0 : index
      %get3A_261 = tpu.vector_load %arg5[%get3A_260] {strides = array<i32>} : memref<25600xi32, #tpu.memory_space<vmem>>, vector<16xi32>,
      %get3A_262 = vector.shape_cast %get3A_261 : vector<16xi32> to vector<16xi32>
      %dma_wait3A_263 = arith.constant 0 : i32
      %dma_wait3A_264 = arith.constant 64 : i32
      %dma_wait3A_265 = arith.constant 0 : i32
      %dma_wait3A_266 = tpu.memref_slice %arg6[%dma_wait3A_263, %dma_wait3A_264, %dma_wait3A_265] : memref<2x256x64xf32, #tpu.memory_space<vmem>> -> memref<1x16x64xf32, #tpu.memory_space<vmem>>
      %dma_wait3A_267 = tpu.memref_squeeze %dma_wait3A_266 : memref<1x16x64xf32, #tpu.memory_space<vmem>> -> memref<16x64xf32, #tpu.memory_space<vmem>>
      %dma_wait3A_268 = arith.constant 0 : i32
      %dma_wait3A_269 = arith.constant 0 : i32
      %dma_wait3A_270 = tpu.memref_slice %arg3[%dma_wait3A_268, %dma_wait3A_269] : memref<1000000x64xf32, #tpu.memory_space<hbm>> -> memref<1000000x64xf32, #tpu.memory_space<hbm>>
      tpu.wait_indirect_dma semaphore(%arg7 : memref<!tpu.dma_semaphore, #tpu.memory_space<semaphore_mem>>) src(%dma_wait3A_270 : memref<1000000x64xf32, #tpu.memory_space<hbm>>) dst(%dma_wait3A_267 : memref<16x64xf32, #tpu.memory_space<vmem>>)
      %get3A_271 = arith.constant 0 : index
      %get3A_272 = tpu.vector_load %arg5[%get3A_271] {strides = array<i32>} : memref<25600xi32, #tpu.memory_space<vmem>>, vector<16xi32>,
      %get3A_273 = vector.shape_cast %get3A_272 : vector<16xi32> to vector<16xi32>
      %dma_wait3A_274 = arith.constant 0 : i32
      %dma_wait3A_275 = arith.constant 80 : i32
      %dma_wait3A_276 = arith.constant 0 : i32
      %dma_wait3A_277 = tpu.memref_slice %arg6[%dma_wait3A_274, %dma_wait3A_275, %dma_wait3A_276] : memref<2x256x64xf32, #tpu.memory_space<vmem>> -> memref<1x16x64xf32, #tpu.memory_space<vmem>>
      %dma_wait3A_278 = tpu.memref_squeeze %dma_wait3A_277 : memref<1x16x64xf32, #tpu.memory_space<vmem>> -> memref<16x64xf32, #tpu.memory_space<vmem>>
      %dma_wait3A_279 = arith.constant 0 : i32
      %dma_wait3A_280 = arith.constant 0 : i32
      %dma_wait3A_281 = tpu.memref_slice %arg3[%dma_wait3A_279, %dma_wait3A_280] : memref<1000000x64xf32, #tpu.memory_space<hbm>> -> memref<1000000x64xf32, #tpu.memory_space<hbm>>
      tpu.wait_indirect_dma semaphore(%arg7 : memref<!tpu.dma_semaphore, #tpu.memory_space<semaphore_mem>>) src(%dma_wait3A_281 : memref<1000000x64xf32, #tpu.memory_space<hbm>>) dst(%dma_wait3A_278 : memref<16x64xf32, #tpu.memory_space<vmem>>)
      %get3A_282 = arith.constant 0 : index
      %get3A_283 = tpu.vector_load %arg5[%get3A_282] {strides = array<i32>} : memref<25600xi32, #tpu.memory_space<vmem>>, vector<16xi32>,
      %get3A_284 = vector.shape_cast %get3A_283 : vector<16xi32> to vector<16xi32>
      %dma_wait3A_285 = arith.constant 0 : i32
      %dma_wait3A_286 = arith.constant 96 : i32
      %dma_wait3A_287 = arith.constant 0 : i32
      %dma_wait3A_288 = tpu.memref_slice %arg6[%dma_wait3A_285, %dma_wait3A_286, %dma_wait3A_287] : memref<2x256x64xf32, #tpu.memory_space<vmem>> -> memref<1x16x64xf32, #tpu.memory_space<vmem>>
      %dma_wait3A_289 = tpu.memref_squeeze %dma_wait3A_288 : memref<1x16x64xf32, #tpu.memory_space<vmem>> -> memref<16x64xf32, #tpu.memory_space<vmem>>
      %dma_wait3A_290 = arith.constant 0 : i32
      %dma_wait3A_291 = arith.constant 0 : i32
      %dma_wait3A_292 = tpu.memref_slice %arg3[%dma_wait3A_290, %dma_wait3A_291] : memref<1000000x64xf32, #tpu.memory_space<hbm>> -> memref<1000000x64xf32, #tpu.memory_space<hbm>>
      tpu.wait_indirect_dma semaphore(%arg7 : memref<!tpu.dma_semaphore, #tpu.memory_space<semaphore_mem>>) src(%dma_wait3A_292 : memref<1000000x64xf32, #tpu.memory_space<hbm>>) dst(%dma_wait3A_289 : memref<16x64xf32, #tpu.memory_space<vmem>>)
      %get3A_293 = arith.constant 0 : index
      %get3A_294 = tpu.vector_load %arg5[%get3A_293] {strides = array<i32>} : memref<25600xi32, #tpu.memory_space<vmem>>, vector<16xi32>,
      %get3A_295 = vector.shape_cast %get3A_294 : vector<16xi32> to vector<16xi32>
      %dma_wait3A_296 = arith.constant 0 : i32
      %dma_wait3A_297 = arith.constant 112 : i32
      %dma_wait3A_298 = arith.constant 0 : i32
      %dma_wait3A_299 = tpu.memref_slice %arg6[%dma_wait3A_296, %dma_wait3A_297, %dma_wait3A_298] : memref<2x256x64xf32, #tpu.memory_space<vmem>> -> memref<1x16x64xf32, #tpu.memory_space<vmem>>
      %dma_wait3A_300 = tpu.memref_squeeze %dma_wait3A_299 : memref<1x16x64xf32, #tpu.memory_space<vmem>> -> memref<16x64xf32, #tpu.memory_space<vmem>>
      %dma_wait3A_301 = arith.constant 0 : i32
      %dma_wait3A_302 = arith.constant 0 : i32
      %dma_wait3A_303 = tpu.memref_slice %arg3[%dma_wait3A_301, %dma_wait3A_302] : memref<1000000x64xf32, #tpu.memory_space<hbm>> -> memref<1000000x64xf32, #tpu.memory_space<hbm>>
      tpu.wait_indirect_dma semaphore(%arg7 : memref<!tpu.dma_semaphore, #tpu.memory_space<semaphore_mem>>) src(%dma_wait3A_303 : memref<1000000x64xf32, #tpu.memory_space<hbm>>) dst(%dma_wait3A_300 : memref<16x64xf32, #tpu.memory_space<vmem>>)
      %get3A_304 = arith.constant 0 : index
      %get3A_305 = tpu.vector_load %arg5[%get3A_304] {strides = array<i32>} : memref<25600xi32, #tpu.memory_space<vmem>>, vector<16xi32>,
      %get3A_306 = vector.shape_cast %get3A_305 : vector<16xi32> to vector<16xi32>
      %dma_wait3A_307 = arith.constant 0 : i32
      %dma_wait3A_308 = arith.constant 128 : i32
      %dma_wait3A_309 = arith.constant 0 : i32
      %dma_wait3A_310 = tpu.memref_slice %arg6[%dma_wait3A_307, %dma_wait3A_308, %dma_wait3A_309] : memref<2x256x64xf32, #tpu.memory_space<vmem>> -> memref<1x16x64xf32, #tpu.memory_space<vmem>>
      %dma_wait3A_311 = tpu.memref_squeeze %dma_wait3A_310 : memref<1x16x64xf32, #tpu.memory_space<vmem>> -> memref<16x64xf32, #tpu.memory_space<vmem>>
      %dma_wait3A_312 = arith.constant 0 : i32
      %dma_wait3A_313 = arith.constant 0 : i32
      %dma_wait3A_314 = tpu.memref_slice %arg3[%dma_wait3A_312, %dma_wait3A_313] : memref<1000000x64xf32, #tpu.memory_space<hbm>> -> memref<1000000x64xf32, #tpu.memory_space<hbm>>
      tpu.wait_indirect_dma semaphore(%arg7 : memref<!tpu.dma_semaphore, #tpu.memory_space<semaphore_mem>>) src(%dma_wait3A_314 : memref<1000000x64xf32, #tpu.memory_space<hbm>>) dst(%dma_wait3A_311 : memref<16x64xf32, #tpu.memory_space<vmem>>)
      %get3A_315 = arith.constant 0 : index
      %get3A_316 = tpu.vector_load %arg5[%get3A_315] {strides = array<i32>} : memref<25600xi32, #tpu.memory_space<vmem>>, vector<16xi32>,
      %get3A_317 = vector.shape_cast %get3A_316 : vector<16xi32> to vector<16xi32>
      %dma_wait3A_318 = arith.constant 0 : i32
      %dma_wait3A_319 = arith.constant 144 : i32
      %dma_wait3A_320 = arith.constant 0 : i32
      %dma_wait3A_321 = tpu.memref_slice %arg6[%dma_wait3A_318, %dma_wait3A_319, %dma_wait3A_320] : memref<2x256x64xf32, #tpu.memory_space<vmem>> -> memref<1x16x64xf32, #tpu.memory_space<vmem>>
      %dma_wait3A_322 = tpu.memref_squeeze %dma_wait3A_321 : memref<1x16x64xf32, #tpu.memory_space<vmem>> -> memref<16x64xf32, #tpu.memory_space<vmem>>
      %dma_wait3A_323 = arith.constant 0 : i32
      %dma_wait3A_324 = arith.constant 0 : i32
      %dma_wait3A_325 = tpu.memref_slice %arg3[%dma_wait3A_323, %dma_wait3A_324] : memref<1000000x64xf32, #tpu.memory_space<hbm>> -> memref<1000000x64xf32, #tpu.memory_space<hbm>>
      tpu.wait_indirect_dma semaphore(%arg7 : memref<!tpu.dma_semaphore, #tpu.memory_space<semaphore_mem>>) src(%dma_wait3A_325 : memref<1000000x64xf32, #tpu.memory_space<hbm>>) dst(%dma_wait3A_322 : memref<16x64xf32, #tpu.memory_space<vmem>>)
      %get3A_326 = arith.constant 0 : index
      %get3A_327 = tpu.vector_load %arg5[%get3A_326] {strides = array<i32>} : memref<25600xi32, #tpu.memory_space<vmem>>, vector<16xi32>,
      %get3A_328 = vector.shape_cast %get3A_327 : vector<16xi32> to vector<16xi32>
      %dma_wait3A_329 = arith.constant 0 : i32
      %dma_wait3A_330 = arith.constant 160 : i32
      %dma_wait3A_331 = arith.constant 0 : i32
      %dma_wait3A_332 = tpu.memref_slice %arg6[%dma_wait3A_329, %dma_wait3A_330, %dma_wait3A_331] : memref<2x256x64xf32, #tpu.memory_space<vmem>> -> memref<1x16x64xf32, #tpu.memory_space<vmem>>
      %dma_wait3A_333 = tpu.memref_squeeze %dma_wait3A_332 : memref<1x16x64xf32, #tpu.memory_space<vmem>> -> memref<16x64xf32, #tpu.memory_space<vmem>>
      %dma_wait3A_334 = arith.constant 0 : i32
      %dma_wait3A_335 = arith.constant 0 : i32
      %dma_wait3A_336 = tpu.memref_slice %arg3[%dma_wait3A_334, %dma_wait3A_335] : memref<1000000x64xf32, #tpu.memory_space<hbm>> -> memref<1000000x64xf32, #tpu.memory_space<hbm>>
      tpu.wait_indirect_dma semaphore(%arg7 : memref<!tpu.dma_semaphore, #tpu.memory_space<semaphore_mem>>) src(%dma_wait3A_336 : memref<1000000x64xf32, #tpu.memory_space<hbm>>) dst(%dma_wait3A_333 : memref<16x64xf32, #tpu.memory_space<vmem>>)
      %get3A_337 = arith.constant 0 : index
      %get3A_338 = tpu.vector_load %arg5[%get3A_337] {strides = array<i32>} : memref<25600xi32, #tpu.memory_space<vmem>>, vector<16xi32>,
      %get3A_339 = vector.shape_cast %get3A_338 : vector<16xi32> to vector<16xi32>
      %dma_wait3A_340 = arith.constant 0 : i32
      %dma_wait3A_341 = arith.constant 176 : i32
      %dma_wait3A_342 = arith.constant 0 : i32
      %dma_wait3A_343 = tpu.memref_slice %arg6[%dma_wait3A_340, %dma_wait3A_341, %dma_wait3A_342] : memref<2x256x64xf32, #tpu.memory_space<vmem>> -> memref<1x16x64xf32, #tpu.memory_space<vmem>>
      %dma_wait3A_344 = tpu.memref_squeeze %dma_wait3A_343 : memref<1x16x64xf32, #tpu.memory_space<vmem>> -> memref<16x64xf32, #tpu.memory_space<vmem>>
      %dma_wait3A_345 = arith.constant 0 : i32
      %dma_wait3A_346 = arith.constant 0 : i32
      %dma_wait3A_347 = tpu.memref_slice %arg3[%dma_wait3A_345, %dma_wait3A_346] : memref<1000000x64xf32, #tpu.memory_space<hbm>> -> memref<1000000x64xf32, #tpu.memory_space<hbm>>
      tpu.wait_indirect_dma semaphore(%arg7 : memref<!tpu.dma_semaphore, #tpu.memory_space<semaphore_mem>>) src(%dma_wait3A_347 : memref<1000000x64xf32, #tpu.memory_space<hbm>>) dst(%dma_wait3A_344 : memref<16x64xf32, #tpu.memory_space<vmem>>)
      %get3A_348 = arith.constant 0 : index
      %get3A_349 = tpu.vector_load %arg5[%get3A_348] {strides = array<i32>} : memref<25600xi32, #tpu.memory_space<vmem>>, vector<16xi32>,
      %get3A_350 = vector.shape_cast %get3A_349 : vector<16xi32> to vector<16xi32>
      %dma_wait3A_351 = arith.constant 0 : i32
      %dma_wait3A_352 = arith.constant 192 : i32
      %dma_wait3A_353 = arith.constant 0 : i32
      %dma_wait3A_354 = tpu.memref_slice %arg6[%dma_wait3A_351, %dma_wait3A_352, %dma_wait3A_353] : memref<2x256x64xf32, #tpu.memory_space<vmem>> -> memref<1x16x64xf32, #tpu.memory_space<vmem>>
      %dma_wait3A_355 = tpu.memref_squeeze %dma_wait3A_354 : memref<1x16x64xf32, #tpu.memory_space<vmem>> -> memref<16x64xf32, #tpu.memory_space<vmem>>
      %dma_wait3A_356 = arith.constant 0 : i32
      %dma_wait3A_357 = arith.constant 0 : i32
      %dma_wait3A_358 = tpu.memref_slice %arg3[%dma_wait3A_356, %dma_wait3A_357] : memref<1000000x64xf32, #tpu.memory_space<hbm>> -> memref<1000000x64xf32, #tpu.memory_space<hbm>>
      tpu.wait_indirect_dma semaphore(%arg7 : memref<!tpu.dma_semaphore, #tpu.memory_space<semaphore_mem>>) src(%dma_wait3A_358 : memref<1000000x64xf32, #tpu.memory_space<hbm>>) dst(%dma_wait3A_355 : memref<16x64xf32, #tpu.memory_space<vmem>>)
      %get3A_359 = arith.constant 0 : index
      %get3A_360 = tpu.vector_load %arg5[%get3A_359] {strides = array<i32>} : memref<25600xi32, #tpu.memory_space<vmem>>, vector<16xi32>,
      %get3A_361 = vector.shape_cast %get3A_360 : vector<16xi32> to vector<16xi32>
      %dma_wait3A_362 = arith.constant 0 : i32
      %dma_wait3A_363 = arith.constant 208 : i32
      %dma_wait3A_364 = arith.constant 0 : i32
      %dma_wait3A_365 = tpu.memref_slice %arg6[%dma_wait3A_362, %dma_wait3A_363, %dma_wait3A_364] : memref<2x256x64xf32, #tpu.memory_space<vmem>> -> memref<1x16x64xf32, #tpu.memory_space<vmem>>
      %dma_wait3A_366 = tpu.memref_squeeze %dma_wait3A_365 : memref<1x16x64xf32, #tpu.memory_space<vmem>> -> memref<16x64xf32, #tpu.memory_space<vmem>>
      %dma_wait3A_367 = arith.constant 0 : i32
      %dma_wait3A_368 = arith.constant 0 : i32
      %dma_wait3A_369 = tpu.memref_slice %arg3[%dma_wait3A_367, %dma_wait3A_368] : memref<1000000x64xf32, #tpu.memory_space<hbm>> -> memref<1000000x64xf32, #tpu.memory_space<hbm>>
      tpu.wait_indirect_dma semaphore(%arg7 : memref<!tpu.dma_semaphore, #tpu.memory_space<semaphore_mem>>) src(%dma_wait3A_369 : memref<1000000x64xf32, #tpu.memory_space<hbm>>) dst(%dma_wait3A_366 : memref<16x64xf32, #tpu.memory_space<vmem>>)
      %get3A_370 = arith.constant 0 : index
      %get3A_371 = tpu.vector_load %arg5[%get3A_370] {strides = array<i32>} : memref<25600xi32, #tpu.memory_space<vmem>>, vector<16xi32>,
      %get3A_372 = vector.shape_cast %get3A_371 : vector<16xi32> to vector<16xi32>
      %dma_wait3A_373 = arith.constant 0 : i32
      %dma_wait3A_374 = arith.constant 224 : i32
      %dma_wait3A_375 = arith.constant 0 : i32
      %dma_wait3A_376 = tpu.memref_slice %arg6[%dma_wait3A_373, %dma_wait3A_374, %dma_wait3A_375] : memref<2x256x64xf32, #tpu.memory_space<vmem>> -> memref<1x16x64xf32, #tpu.memory_space<vmem>>
      %dma_wait3A_377 = tpu.memref_squeeze %dma_wait3A_376 : memref<1x16x64xf32, #tpu.memory_space<vmem>> -> memref<16x64xf32, #tpu.memory_space<vmem>>
      %dma_wait3A_378 = arith.constant 0 : i32
      %dma_wait3A_379 = arith.constant 0 : i32
      %dma_wait3A_380 = tpu.memref_slice %arg3[%dma_wait3A_378, %dma_wait3A_379] : memref<1000000x64xf32, #tpu.memory_space<hbm>> -> memref<1000000x64xf32, #tpu.memory_space<hbm>>
      tpu.wait_indirect_dma semaphore(%arg7 : memref<!tpu.dma_semaphore, #tpu.memory_space<semaphore_mem>>) src(%dma_wait3A_380 : memref<1000000x64xf32, #tpu.memory_space<hbm>>) dst(%dma_wait3A_377 : memref<16x64xf32, #tpu.memory_space<vmem>>)
      %get3A_381 = arith.constant 0 : index
      %get3A_382 = tpu.vector_load %arg5[%get3A_381] {strides = array<i32>} : memref<25600xi32, #tpu.memory_space<vmem>>, vector<16xi32>,
      %get3A_383 = vector.shape_cast %get3A_382 : vector<16xi32> to vector<16xi32>
      %dma_wait3A_384 = arith.constant 0 : i32
      %dma_wait3A_385 = arith.constant 240 : i32
      %dma_wait3A_386 = arith.constant 0 : i32
      %dma_wait3A_387 = tpu.memref_slice %arg6[%dma_wait3A_384, %dma_wait3A_385, %dma_wait3A_386] : memref<2x256x64xf32, #tpu.memory_space<vmem>> -> memref<1x16x64xf32, #tpu.memory_space<vmem>>
      %dma_wait3A_388 = tpu.memref_squeeze %dma_wait3A_387 : memref<1x16x64xf32, #tpu.memory_space<vmem>> -> memref<16x64xf32, #tpu.memory_space<vmem>>
      %dma_wait3A_389 = arith.constant 0 : i32
      %dma_wait3A_390 = arith.constant 0 : i32
      %dma_wait3A_391 = tpu.memref_slice %arg3[%dma_wait3A_389, %dma_wait3A_390] : memref<1000000x64xf32, #tpu.memory_space<hbm>> -> memref<1000000x64xf32, #tpu.memory_space<hbm>>
      tpu.wait_indirect_dma semaphore(%arg7 : memref<!tpu.dma_semaphore, #tpu.memory_space<semaphore_mem>>) src(%dma_wait3A_391 : memref<1000000x64xf32, #tpu.memory_space<hbm>>) dst(%dma_wait3A_388 : memref<16x64xf32, #tpu.memory_space<vmem>>)
      %mul3A_392 = arith.constant 256 : i32
      %mul3A_393 = arith.muli %add3A_211, %mul3A_392 : i32
      %add3A_394 = arith.addi %mul3A_2, %mul3A_393 : i32
      %dma_start3A_395 = arith.constant 0 : i32
      %dma_start3A_396 = arith.constant 0 : i32
      %dma_start3A_397 = arith.constant 0 : i32
      %dma_start3A_398 = tpu.memref_slice %arg6[%dma_start3A_395, %dma_start3A_396, %dma_start3A_397] : memref<2x256x64xf32, #tpu.memory_space<vmem>> -> memref<1x256x64xf32, #tpu.memory_space<vmem>>
      %dma_start3A_399 = tpu.memref_squeeze %dma_start3A_398 : memref<1x256x64xf32, #tpu.memory_space<vmem>> -> memref<256x64xf32, #tpu.memory_space<vmem>>
      %dma_start3A_400 = arith.constant 0 : i32
      %dma_start3A_401 = tpu.memref_slice %arg4[%add3A_394, %dma_start3A_400] : memref<819200x64xf32, #tpu.memory_space<hbm>> -> memref<256x64xf32, #tpu.memory_space<hbm>>
      %dma_start3A_402 = arith.constant 0 : i32
      %dma_start3A_403 = tpu.memref_slice %arg4[%add3A_394, %dma_start3A_402] : memref<819200x64xf32, #tpu.memory_space<hbm>> -> memref<256x64xf32, #tpu.memory_space<hbm>>
      %dma_start3A_404 = arith.constant 0 : i32
      %dma_start3A_405 = arith.constant 0 : i32
      %dma_start3A_406 = tpu.memref_slice %arg6[%dma_start3A_395, %dma_start3A_404, %dma_start3A_405] : memref<2x256x64xf32, #tpu.memory_space<vmem>> -> memref<1x256x64xf32, #tpu.memory_space<vmem>>
      %dma_start3A_407 = tpu.memref_squeeze %dma_start3A_406 : memref<1x256x64xf32, #tpu.memory_space<vmem>> -> memref<256x64xf32, #tpu.memory_space<vmem>>
      tpu.enqueue_dma source(%dma_start3A_407 : memref<256x64xf32, #tpu.memory_space<vmem>>) target(%dma_start3A_403 : memref<256x64xf32, #tpu.memory_space<hbm>>) target_semaphore(%arg8 : memref<!tpu.dma_semaphore, #tpu.memory_space<semaphore_mem>>)
      %mul3A_408 = arith.constant 2 : i32
      %mul3A_409 = arith.muli %scan3A_207, %mul3A_408 : i32
      %add3A_410 = arith.constant 1 : i32
      %add3A_411 = arith.addi %mul3A_409, %add3A_410 : i32
      %add3A_412 = arith.constant 1 : i32
      %add3A_413 = arith.addi %add3A_411, %add3A_412 : i32
      %lt3A_414 = arith.constant 100 : i32
      %lt3A_415 = arith.cmpi slt, %add3A_413, %lt3A_414 : i32
      %convert_element_type3A_416 = arith.extui %lt3A_415 : i1 to i32
      %cond3A_417 = arith.constant 0 : i32
      %cond3A_418 = arith.cmpi ne, %convert_element_type3A_416, %cond3A_417 : i32
      scf.if %cond3A_418 {
        %ge3A = arith.constant 1 : i32
        %ge3A_611 = arith.cmpi sge, %add3A_411, %ge3A : i32
        %convert_element_type3A_612 = arith.extui %ge3A_611 : i1 to i32
        %cond3A_613 = arith.constant 0 : i32
        %cond3A_614 = arith.cmpi ne, %convert_element_type3A_612, %cond3A_613 : i32
        scf.if %cond3A_614 {
          %dma_wait3A_857 = arith.constant 0 : i32
          %dma_wait3A_858 = arith.constant 0 : i32
          %dma_wait3A_859 = arith.constant 0 : i32
          %dma_wait3A_860 = tpu.memref_slice %arg6[%dma_wait3A_857, %dma_wait3A_858, %dma_wait3A_859] : memref<2x256x64xf32, #tpu.memory_space<vmem>> -> memref<1x256x64xf32, #tpu.memory_space<vmem>>
          %dma_wait3A_861 = tpu.memref_squeeze %dma_wait3A_860 : memref<1x256x64xf32, #tpu.memory_space<vmem>> -> memref<256x64xf32, #tpu.memory_space<vmem>>
          %dma_wait3A_862 = arith.constant 0 : i32
          %dma_wait3A_863 = tpu.memref_slice %arg4[%mul3A_2, %dma_wait3A_862] : memref<819200x64xf32, #tpu.memory_space<hbm>> -> memref<256x64xf32, #tpu.memory_space<hbm>>
          %dma_wait3A_864 = arith.constant 0 : i32
          %dma_wait3A_865 = tpu.memref_slice %arg4[%mul3A_2, %dma_wait3A_864] : memref<819200x64xf32, #tpu.memory_space<hbm>> -> memref<256x64xf32, #tpu.memory_space<hbm>>
          %dma_wait3A_866 = arith.constant 0 : i32
          %dma_wait3A_867 = arith.constant 0 : i32
          %dma_wait3A_868 = tpu.memref_slice %arg6[%dma_wait3A_857, %dma_wait3A_866, %dma_wait3A_867] : memref<2x256x64xf32, #tpu.memory_space<vmem>> -> memref<1x256x64xf32, #tpu.memory_space<vmem>>
          %dma_wait3A_869 = tpu.memref_squeeze %dma_wait3A_868 : memref<1x256x64xf32, #tpu.memory_space<vmem>> -> memref<256x64xf32, #tpu.memory_space<vmem>>
          tpu.wait_dma2 semaphore(%arg8 : memref<!tpu.dma_semaphore, #tpu.memory_space<semaphore_mem>>) src(%dma_wait3A_869 : memref<256x64xf32, #tpu.memory_space<vmem>>) dst(%dma_wait3A_865 : memref<256x64xf32, #tpu.memory_space<hbm>>)
        } else {
        }
        %add3A_615 = arith.constant 1 : i32
        %add3A_616 = arith.addi %add3A_411, %add3A_615 : i32
        %mul3A_617 = arith.constant 256 : i32
        %mul3A_618 = arith.muli %add3A_616, %mul3A_617 : i32
        %add3A_619 = arith.constant 0 : i32
        %add3A_620 = arith.addi %mul3A_618, %add3A_619 : i32
        %get3A_621 = arith.index_cast %add3A_620 : i32 to index
        %get3A_622 = tpu.vector_load %arg5[%get3A_621] {strides = array<i32>} : memref<25600xi32, #tpu.memory_space<vmem>>, vector<16xi32>,
        %get3A_623 = vector.shape_cast %get3A_622 : vector<16xi32> to vector<16xi32>
        %dma_start3A_624 = arith.constant 0 : i32
        %dma_start3A_625 = arith.constant 0 : i32
        %dma_start3A_626 = arith.constant 0 : i32
        %dma_start3A_627 = tpu.memref_slice %arg6[%dma_start3A_624, %dma_start3A_625, %dma_start3A_626] : memref<2x256x64xf32, #tpu.memory_space<vmem>> -> memref<1x16x64xf32, #tpu.memory_space<vmem>>
        %dma_start3A_628 = tpu.memref_squeeze %dma_start3A_627 : memref<1x16x64xf32, #tpu.memory_space<vmem>> -> memref<16x64xf32, #tpu.memory_space<vmem>>
        %dma_start3A_629 = arith.constant 0 : i32
        %dma_start3A_630 = arith.constant 0 : i32
        %dma_start3A_631 = tpu.memref_slice %arg3[%dma_start3A_629, %dma_start3A_630] : memref<1000000x64xf32, #tpu.memory_space<hbm>> -> memref<1000000x64xf32, #tpu.memory_space<hbm>>
        tpu.enqueue_indirect_dma source(%dma_start3A_631 : memref<1000000x64xf32, #tpu.memory_space<hbm>>) target(%dma_start3A_628 : memref<16x64xf32, #tpu.memory_space<vmem>>) offsets(%get3A_623 : vector<16xi32>) semaphore(%arg7 : memref<!tpu.dma_semaphore, #tpu.memory_space<semaphore_mem>>)
        %mul3A_632 = arith.constant 256 : i32
        %mul3A_633 = arith.muli %add3A_616, %mul3A_632 : i32
        %add3A_634 = arith.constant 16 : i32
        %add3A_635 = arith.addi %mul3A_633, %add3A_634 : i32
        %get3A_636 = arith.index_cast %add3A_635 : i32 to index
        %get3A_637 = tpu.vector_load %arg5[%get3A_636] {strides = array<i32>} : memref<25600xi32, #tpu.memory_space<vmem>>, vector<16xi32>,
        %get3A_638 = vector.shape_cast %get3A_637 : vector<16xi32> to vector<16xi32>
        %dma_start3A_639 = arith.constant 0 : i32
        %dma_start3A_640 = arith.constant 16 : i32
        %dma_start3A_641 = arith.constant 0 : i32
        %dma_start3A_642 = tpu.memref_slice %arg6[%dma_start3A_639, %dma_start3A_640, %dma_start3A_641] : memref<2x256x64xf32, #tpu.memory_space<vmem>> -> memref<1x16x64xf32, #tpu.memory_space<vmem>>
        %dma_start3A_643 = tpu.memref_squeeze %dma_start3A_642 : memref<1x16x64xf32, #tpu.memory_space<vmem>> -> memref<16x64xf32, #tpu.memory_space<vmem>>
        %dma_start3A_644 = arith.constant 0 : i32
        %dma_start3A_645 = arith.constant 0 : i32
        %dma_start3A_646 = tpu.memref_slice %arg3[%dma_start3A_644, %dma_start3A_645] : memref<1000000x64xf32, #tpu.memory_space<hbm>> -> memref<1000000x64xf32, #tpu.memory_space<hbm>>
        tpu.enqueue_indirect_dma source(%dma_start3A_646 : memref<1000000x64xf32, #tpu.memory_space<hbm>>) target(%dma_start3A_643 : memref<16x64xf32, #tpu.memory_space<vmem>>) offsets(%get3A_638 : vector<16xi32>) semaphore(%arg7 : memref<!tpu.dma_semaphore, #tpu.memory_space<semaphore_mem>>)
        %mul3A_647 = arith.constant 256 : i32
        %mul3A_648 = arith.muli %add3A_616, %mul3A_647 : i32
        %add3A_649 = arith.constant 32 : i32
        %add3A_650 = arith.addi %mul3A_648, %add3A_649 : i32
        %get3A_651 = arith.index_cast %add3A_650 : i32 to index
        %get3A_652 = tpu.vector_load %arg5[%get3A_651] {strides = array<i32>} : memref<25600xi32, #tpu.memory_space<vmem>>, vector<16xi32>,
        %get3A_653 = vector.shape_cast %get3A_652 : vector<16xi32> to vector<16xi32>
        %dma_start3A_654 = arith.constant 0 : i32
        %dma_start3A_655 = arith.constant 32 : i32
        %dma_start3A_656 = arith.constant 0 : i32
        %dma_start3A_657 = tpu.memref_slice %arg6[%dma_start3A_654, %dma_start3A_655, %dma_start3A_656] : memref<2x256x64xf32, #tpu.memory_space<vmem>> -> memref<1x16x64xf32, #tpu.memory_space<vmem>>
        %dma_start3A_658 = tpu.memref_squeeze %dma_start3A_657 : memref<1x16x64xf32, #tpu.memory_space<vmem>> -> memref<16x64xf32, #tpu.memory_space<vmem>>
        %dma_start3A_659 = arith.constant 0 : i32
        %dma_start3A_660 = arith.constant 0 : i32
        %dma_start3A_661 = tpu.memref_slice %arg3[%dma_start3A_659, %dma_start3A_660] : memref<1000000x64xf32, #tpu.memory_space<hbm>> -> memref<1000000x64xf32, #tpu.memory_space<hbm>>
        tpu.enqueue_indirect_dma source(%dma_start3A_661 : memref<1000000x64xf32, #tpu.memory_space<hbm>>) target(%dma_start3A_658 : memref<16x64xf32, #tpu.memory_space<vmem>>) offsets(%get3A_653 : vector<16xi32>) semaphore(%arg7 : memref<!tpu.dma_semaphore, #tpu.memory_space<semaphore_mem>>)
        %mul3A_662 = arith.constant 256 : i32
        %mul3A_663 = arith.muli %add3A_616, %mul3A_662 : i32
        %add3A_664 = arith.constant 48 : i32
        %add3A_665 = arith.addi %mul3A_663, %add3A_664 : i32
        %get3A_666 = arith.index_cast %add3A_665 : i32 to index
        %get3A_667 = tpu.vector_load %arg5[%get3A_666] {strides = array<i32>} : memref<25600xi32, #tpu.memory_space<vmem>>, vector<16xi32>,
        %get3A_668 = vector.shape_cast %get3A_667 : vector<16xi32> to vector<16xi32>
        %dma_start3A_669 = arith.constant 0 : i32
        %dma_start3A_670 = arith.constant 48 : i32
        %dma_start3A_671 = arith.constant 0 : i32
        %dma_start3A_672 = tpu.memref_slice %arg6[%dma_start3A_669, %dma_start3A_670, %dma_start3A_671] : memref<2x256x64xf32, #tpu.memory_space<vmem>> -> memref<1x16x64xf32, #tpu.memory_space<vmem>>
        %dma_start3A_673 = tpu.memref_squeeze %dma_start3A_672 : memref<1x16x64xf32, #tpu.memory_space<vmem>> -> memref<16x64xf32, #tpu.memory_space<vmem>>
        %dma_start3A_674 = arith.constant 0 : i32
        %dma_start3A_675 = arith.constant 0 : i32
        %dma_start3A_676 = tpu.memref_slice %arg3[%dma_start3A_674, %dma_start3A_675] : memref<1000000x64xf32, #tpu.memory_space<hbm>> -> memref<1000000x64xf32, #tpu.memory_space<hbm>>
        tpu.enqueue_indirect_dma source(%dma_start3A_676 : memref<1000000x64xf32, #tpu.memory_space<hbm>>) target(%dma_start3A_673 : memref<16x64xf32, #tpu.memory_space<vmem>>) offsets(%get3A_668 : vector<16xi32>) semaphore(%arg7 : memref<!tpu.dma_semaphore, #tpu.memory_space<semaphore_mem>>)
        %mul3A_677 = arith.constant 256 : i32
        %mul3A_678 = arith.muli %add3A_616, %mul3A_677 : i32
        %add3A_679 = arith.constant 64 : i32
        %add3A_680 = arith.addi %mul3A_678, %add3A_679 : i32
        %get3A_681 = arith.index_cast %add3A_680 : i32 to index
        %get3A_682 = tpu.vector_load %arg5[%get3A_681] {strides = array<i32>} : memref<25600xi32, #tpu.memory_space<vmem>>, vector<16xi32>,
        %get3A_683 = vector.shape_cast %get3A_682 : vector<16xi32> to vector<16xi32>
        %dma_start3A_684 = arith.constant 0 : i32
        %dma_start3A_685 = arith.constant 64 : i32
        %dma_start3A_686 = arith.constant 0 : i32
        %dma_start3A_687 = tpu.memref_slice %arg6[%dma_start3A_684, %dma_start3A_685, %dma_start3A_686] : memref<2x256x64xf32, #tpu.memory_space<vmem>> -> memref<1x16x64xf32, #tpu.memory_space<vmem>>
        %dma_start3A_688 = tpu.memref_squeeze %dma_start3A_687 : memref<1x16x64xf32, #tpu.memory_space<vmem>> -> memref<16x64xf32, #tpu.memory_space<vmem>>
        %dma_start3A_689 = arith.constant 0 : i32
        %dma_start3A_690 = arith.constant 0 : i32
        %dma_start3A_691 = tpu.memref_slice %arg3[%dma_start3A_689, %dma_start3A_690] : memref<1000000x64xf32, #tpu.memory_space<hbm>> -> memref<1000000x64xf32, #tpu.memory_space<hbm>>
        tpu.enqueue_indirect_dma source(%dma_start3A_691 : memref<1000000x64xf32, #tpu.memory_space<hbm>>) target(%dma_start3A_688 : memref<16x64xf32, #tpu.memory_space<vmem>>) offsets(%get3A_683 : vector<16xi32>) semaphore(%arg7 : memref<!tpu.dma_semaphore, #tpu.memory_space<semaphore_mem>>)
        %mul3A_692 = arith.constant 256 : i32
        %mul3A_693 = arith.muli %add3A_616, %mul3A_692 : i32
        %add3A_694 = arith.constant 80 : i32
        %add3A_695 = arith.addi %mul3A_693, %add3A_694 : i32
        %get3A_696 = arith.index_cast %add3A_695 : i32 to index
        %get3A_697 = tpu.vector_load %arg5[%get3A_696] {strides = array<i32>} : memref<25600xi32, #tpu.memory_space<vmem>>, vector<16xi32>,
        %get3A_698 = vector.shape_cast %get3A_697 : vector<16xi32> to vector<16xi32>
        %dma_start3A_699 = arith.constant 0 : i32
        %dma_start3A_700 = arith.constant 80 : i32
        %dma_start3A_701 = arith.constant 0 : i32
        %dma_start3A_702 = tpu.memref_slice %arg6[%dma_start3A_699, %dma_start3A_700, %dma_start3A_701] : memref<2x256x64xf32, #tpu.memory_space<vmem>> -> memref<1x16x64xf32, #tpu.memory_space<vmem>>
        %dma_start3A_703 = tpu.memref_squeeze %dma_start3A_702 : memref<1x16x64xf32, #tpu.memory_space<vmem>> -> memref<16x64xf32, #tpu.memory_space<vmem>>
        %dma_start3A_704 = arith.constant 0 : i32
        %dma_start3A_705 = arith.constant 0 : i32
        %dma_start3A_706 = tpu.memref_slice %arg3[%dma_start3A_704, %dma_start3A_705] : memref<1000000x64xf32, #tpu.memory_space<hbm>> -> memref<1000000x64xf32, #tpu.memory_space<hbm>>
        tpu.enqueue_indirect_dma source(%dma_start3A_706 : memref<1000000x64xf32, #tpu.memory_space<hbm>>) target(%dma_start3A_703 : memref<16x64xf32, #tpu.memory_space<vmem>>) offsets(%get3A_698 : vector<16xi32>) semaphore(%arg7 : memref<!tpu.dma_semaphore, #tpu.memory_space<semaphore_mem>>)
        %mul3A_707 = arith.constant 256 : i32
        %mul3A_708 = arith.muli %add3A_616, %mul3A_707 : i32
        %add3A_709 = arith.constant 96 : i32
        %add3A_710 = arith.addi %mul3A_708, %add3A_709 : i32
        %get3A_711 = arith.index_cast %add3A_710 : i32 to index
        %get3A_712 = tpu.vector_load %arg5[%get3A_711] {strides = array<i32>} : memref<25600xi32, #tpu.memory_space<vmem>>, vector<16xi32>,
        %get3A_713 = vector.shape_cast %get3A_712 : vector<16xi32> to vector<16xi32>
        %dma_start3A_714 = arith.constant 0 : i32
        %dma_start3A_715 = arith.constant 96 : i32
        %dma_start3A_716 = arith.constant 0 : i32
        %dma_start3A_717 = tpu.memref_slice %arg6[%dma_start3A_714, %dma_start3A_715, %dma_start3A_716] : memref<2x256x64xf32, #tpu.memory_space<vmem>> -> memref<1x16x64xf32, #tpu.memory_space<vmem>>
        %dma_start3A_718 = tpu.memref_squeeze %dma_start3A_717 : memref<1x16x64xf32, #tpu.memory_space<vmem>> -> memref<16x64xf32, #tpu.memory_space<vmem>>
        %dma_start3A_719 = arith.constant 0 : i32
        %dma_start3A_720 = arith.constant 0 : i32
        %dma_start3A_721 = tpu.memref_slice %arg3[%dma_start3A_719, %dma_start3A_720] : memref<1000000x64xf32, #tpu.memory_space<hbm>> -> memref<1000000x64xf32, #tpu.memory_space<hbm>>
        tpu.enqueue_indirect_dma source(%dma_start3A_721 : memref<1000000x64xf32, #tpu.memory_space<hbm>>) target(%dma_start3A_718 : memref<16x64xf32, #tpu.memory_space<vmem>>) offsets(%get3A_713 : vector<16xi32>) semaphore(%arg7 : memref<!tpu.dma_semaphore, #tpu.memory_space<semaphore_mem>>)
        %mul3A_722 = arith.constant 256 : i32
        %mul3A_723 = arith.muli %add3A_616, %mul3A_722 : i32
        %add3A_724 = arith.constant 112 : i32
        %add3A_725 = arith.addi %mul3A_723, %add3A_724 : i32
        %get3A_726 = arith.index_cast %add3A_725 : i32 to index
        %get3A_727 = tpu.vector_load %arg5[%get3A_726] {strides = array<i32>} : memref<25600xi32, #tpu.memory_space<vmem>>, vector<16xi32>,
        %get3A_728 = vector.shape_cast %get3A_727 : vector<16xi32> to vector<16xi32>
        %dma_start3A_729 = arith.constant 0 : i32
        %dma_start3A_730 = arith.constant 112 : i32
        %dma_start3A_731 = arith.constant 0 : i32
        %dma_start3A_732 = tpu.memref_slice %arg6[%dma_start3A_729, %dma_start3A_730, %dma_start3A_731] : memref<2x256x64xf32, #tpu.memory_space<vmem>> -> memref<1x16x64xf32, #tpu.memory_space<vmem>>
        %dma_start3A_733 = tpu.memref_squeeze %dma_start3A_732 : memref<1x16x64xf32, #tpu.memory_space<vmem>> -> memref<16x64xf32, #tpu.memory_space<vmem>>
        %dma_start3A_734 = arith.constant 0 : i32
        %dma_start3A_735 = arith.constant 0 : i32
        %dma_start3A_736 = tpu.memref_slice %arg3[%dma_start3A_734, %dma_start3A_735] : memref<1000000x64xf32, #tpu.memory_space<hbm>> -> memref<1000000x64xf32, #tpu.memory_space<hbm>>
        tpu.enqueue_indirect_dma source(%dma_start3A_736 : memref<1000000x64xf32, #tpu.memory_space<hbm>>) target(%dma_start3A_733 : memref<16x64xf32, #tpu.memory_space<vmem>>) offsets(%get3A_728 : vector<16xi32>) semaphore(%arg7 : memref<!tpu.dma_semaphore, #tpu.memory_space<semaphore_mem>>)
        %mul3A_737 = arith.constant 256 : i32
        %mul3A_738 = arith.muli %add3A_616, %mul3A_737 : i32
        %add3A_739 = arith.constant 128 : i32
        %add3A_740 = arith.addi %mul3A_738, %add3A_739 : i32
        %get3A_741 = arith.index_cast %add3A_740 : i32 to index
        %get3A_742 = tpu.vector_load %arg5[%get3A_741] {strides = array<i32>} : memref<25600xi32, #tpu.memory_space<vmem>>, vector<16xi32>,
        %get3A_743 = vector.shape_cast %get3A_742 : vector<16xi32> to vector<16xi32>
        %dma_start3A_744 = arith.constant 0 : i32
        %dma_start3A_745 = arith.constant 128 : i32
        %dma_start3A_746 = arith.constant 0 : i32
        %dma_start3A_747 = tpu.memref_slice %arg6[%dma_start3A_744, %dma_start3A_745, %dma_start3A_746] : memref<2x256x64xf32, #tpu.memory_space<vmem>> -> memref<1x16x64xf32, #tpu.memory_space<vmem>>
        %dma_start3A_748 = tpu.memref_squeeze %dma_start3A_747 : memref<1x16x64xf32, #tpu.memory_space<vmem>> -> memref<16x64xf32, #tpu.memory_space<vmem>>
        %dma_start3A_749 = arith.constant 0 : i32
        %dma_start3A_750 = arith.constant 0 : i32
        %dma_start3A_751 = tpu.memref_slice %arg3[%dma_start3A_749, %dma_start3A_750] : memref<1000000x64xf32, #tpu.memory_space<hbm>> -> memref<1000000x64xf32, #tpu.memory_space<hbm>>
        tpu.enqueue_indirect_dma source(%dma_start3A_751 : memref<1000000x64xf32, #tpu.memory_space<hbm>>) target(%dma_start3A_748 : memref<16x64xf32, #tpu.memory_space<vmem>>) offsets(%get3A_743 : vector<16xi32>) semaphore(%arg7 : memref<!tpu.dma_semaphore, #tpu.memory_space<semaphore_mem>>)
        %mul3A_752 = arith.constant 256 : i32
        %mul3A_753 = arith.muli %add3A_616, %mul3A_752 : i32
        %add3A_754 = arith.constant 144 : i32
        %add3A_755 = arith.addi %mul3A_753, %add3A_754 : i32
        %get3A_756 = arith.index_cast %add3A_755 : i32 to index
        %get3A_757 = tpu.vector_load %arg5[%get3A_756] {strides = array<i32>} : memref<25600xi32, #tpu.memory_space<vmem>>, vector<16xi32>,
        %get3A_758 = vector.shape_cast %get3A_757 : vector<16xi32> to vector<16xi32>
        %dma_start3A_759 = arith.constant 0 : i32
        %dma_start3A_760 = arith.constant 144 : i32
        %dma_start3A_761 = arith.constant 0 : i32
        %dma_start3A_762 = tpu.memref_slice %arg6[%dma_start3A_759, %dma_start3A_760, %dma_start3A_761] : memref<2x256x64xf32, #tpu.memory_space<vmem>> -> memref<1x16x64xf32, #tpu.memory_space<vmem>>
        %dma_start3A_763 = tpu.memref_squeeze %dma_start3A_762 : memref<1x16x64xf32, #tpu.memory_space<vmem>> -> memref<16x64xf32, #tpu.memory_space<vmem>>
        %dma_start3A_764 = arith.constant 0 : i32
        %dma_start3A_765 = arith.constant 0 : i32
        %dma_start3A_766 = tpu.memref_slice %arg3[%dma_start3A_764, %dma_start3A_765] : memref<1000000x64xf32, #tpu.memory_space<hbm>> -> memref<1000000x64xf32, #tpu.memory_space<hbm>>
        tpu.enqueue_indirect_dma source(%dma_start3A_766 : memref<1000000x64xf32, #tpu.memory_space<hbm>>) target(%dma_start3A_763 : memref<16x64xf32, #tpu.memory_space<vmem>>) offsets(%get3A_758 : vector<16xi32>) semaphore(%arg7 : memref<!tpu.dma_semaphore, #tpu.memory_space<semaphore_mem>>)
        %mul3A_767 = arith.constant 256 : i32
        %mul3A_768 = arith.muli %add3A_616, %mul3A_767 : i32
        %add3A_769 = arith.constant 160 : i32
        %add3A_770 = arith.addi %mul3A_768, %add3A_769 : i32
        %get3A_771 = arith.index_cast %add3A_770 : i32 to index
        %get3A_772 = tpu.vector_load %arg5[%get3A_771] {strides = array<i32>} : memref<25600xi32, #tpu.memory_space<vmem>>, vector<16xi32>,
        %get3A_773 = vector.shape_cast %get3A_772 : vector<16xi32> to vector<16xi32>
        %dma_start3A_774 = arith.constant 0 : i32
        %dma_start3A_775 = arith.constant 160 : i32
        %dma_start3A_776 = arith.constant 0 : i32
        %dma_start3A_777 = tpu.memref_slice %arg6[%dma_start3A_774, %dma_start3A_775, %dma_start3A_776] : memref<2x256x64xf32, #tpu.memory_space<vmem>> -> memref<1x16x64xf32, #tpu.memory_space<vmem>>
        %dma_start3A_778 = tpu.memref_squeeze %dma_start3A_777 : memref<1x16x64xf32, #tpu.memory_space<vmem>> -> memref<16x64xf32, #tpu.memory_space<vmem>>
        %dma_start3A_779 = arith.constant 0 : i32
        %dma_start3A_780 = arith.constant 0 : i32
        %dma_start3A_781 = tpu.memref_slice %arg3[%dma_start3A_779, %dma_start3A_780] : memref<1000000x64xf32, #tpu.memory_space<hbm>> -> memref<1000000x64xf32, #tpu.memory_space<hbm>>
        tpu.enqueue_indirect_dma source(%dma_start3A_781 : memref<1000000x64xf32, #tpu.memory_space<hbm>>) target(%dma_start3A_778 : memref<16x64xf32, #tpu.memory_space<vmem>>) offsets(%get3A_773 : vector<16xi32>) semaphore(%arg7 : memref<!tpu.dma_semaphore, #tpu.memory_space<semaphore_mem>>)
        %mul3A_782 = arith.constant 256 : i32
        %mul3A_783 = arith.muli %add3A_616, %mul3A_782 : i32
        %add3A_784 = arith.constant 176 : i32
        %add3A_785 = arith.addi %mul3A_783, %add3A_784 : i32
        %get3A_786 = arith.index_cast %add3A_785 : i32 to index
        %get3A_787 = tpu.vector_load %arg5[%get3A_786] {strides = array<i32>} : memref<25600xi32, #tpu.memory_space<vmem>>, vector<16xi32>,
        %get3A_788 = vector.shape_cast %get3A_787 : vector<16xi32> to vector<16xi32>
        %dma_start3A_789 = arith.constant 0 : i32
        %dma_start3A_790 = arith.constant 176 : i32
        %dma_start3A_791 = arith.constant 0 : i32
        %dma_start3A_792 = tpu.memref_slice %arg6[%dma_start3A_789, %dma_start3A_790, %dma_start3A_791] : memref<2x256x64xf32, #tpu.memory_space<vmem>> -> memref<1x16x64xf32, #tpu.memory_space<vmem>>
        %dma_start3A_793 = tpu.memref_squeeze %dma_start3A_792 : memref<1x16x64xf32, #tpu.memory_space<vmem>> -> memref<16x64xf32, #tpu.memory_space<vmem>>
        %dma_start3A_794 = arith.constant 0 : i32
        %dma_start3A_795 = arith.constant 0 : i32
        %dma_start3A_796 = tpu.memref_slice %arg3[%dma_start3A_794, %dma_start3A_795] : memref<1000000x64xf32, #tpu.memory_space<hbm>> -> memref<1000000x64xf32, #tpu.memory_space<hbm>>
        tpu.enqueue_indirect_dma source(%dma_start3A_796 : memref<1000000x64xf32, #tpu.memory_space<hbm>>) target(%dma_start3A_793 : memref<16x64xf32, #tpu.memory_space<vmem>>) offsets(%get3A_788 : vector<16xi32>) semaphore(%arg7 : memref<!tpu.dma_semaphore, #tpu.memory_space<semaphore_mem>>)
        %mul3A_797 = arith.constant 256 : i32
        %mul3A_798 = arith.muli %add3A_616, %mul3A_797 : i32
        %add3A_799 = arith.constant 192 : i32
        %add3A_800 = arith.addi %mul3A_798, %add3A_799 : i32
        %get3A_801 = arith.index_cast %add3A_800 : i32 to index
        %get3A_802 = tpu.vector_load %arg5[%get3A_801] {strides = array<i32>} : memref<25600xi32, #tpu.memory_space<vmem>>, vector<16xi32>,
        %get3A_803 = vector.shape_cast %get3A_802 : vector<16xi32> to vector<16xi32>
        %dma_start3A_804 = arith.constant 0 : i32
        %dma_start3A_805 = arith.constant 192 : i32
        %dma_start3A_806 = arith.constant 0 : i32
        %dma_start3A_807 = tpu.memref_slice %arg6[%dma_start3A_804, %dma_start3A_805, %dma_start3A_806] : memref<2x256x64xf32, #tpu.memory_space<vmem>> -> memref<1x16x64xf32, #tpu.memory_space<vmem>>
        %dma_start3A_808 = tpu.memref_squeeze %dma_start3A_807 : memref<1x16x64xf32, #tpu.memory_space<vmem>> -> memref<16x64xf32, #tpu.memory_space<vmem>>
        %dma_start3A_809 = arith.constant 0 : i32
        %dma_start3A_810 = arith.constant 0 : i32
        %dma_start3A_811 = tpu.memref_slice %arg3[%dma_start3A_809, %dma_start3A_810] : memref<1000000x64xf32, #tpu.memory_space<hbm>> -> memref<1000000x64xf32, #tpu.memory_space<hbm>>
        tpu.enqueue_indirect_dma source(%dma_start3A_811 : memref<1000000x64xf32, #tpu.memory_space<hbm>>) target(%dma_start3A_808 : memref<16x64xf32, #tpu.memory_space<vmem>>) offsets(%get3A_803 : vector<16xi32>) semaphore(%arg7 : memref<!tpu.dma_semaphore, #tpu.memory_space<semaphore_mem>>)
        %mul3A_812 = arith.constant 256 : i32
        %mul3A_813 = arith.muli %add3A_616, %mul3A_812 : i32
        %add3A_814 = arith.constant 208 : i32
        %add3A_815 = arith.addi %mul3A_813, %add3A_814 : i32
        %get3A_816 = arith.index_cast %add3A_815 : i32 to index
        %get3A_817 = tpu.vector_load %arg5[%get3A_816] {strides = array<i32>} : memref<25600xi32, #tpu.memory_space<vmem>>, vector<16xi32>,
        %get3A_818 = vector.shape_cast %get3A_817 : vector<16xi32> to vector<16xi32>
        %dma_start3A_819 = arith.constant 0 : i32
        %dma_start3A_820 = arith.constant 208 : i32
        %dma_start3A_821 = arith.constant 0 : i32
        %dma_start3A_822 = tpu.memref_slice %arg6[%dma_start3A_819, %dma_start3A_820, %dma_start3A_821] : memref<2x256x64xf32, #tpu.memory_space<vmem>> -> memref<1x16x64xf32, #tpu.memory_space<vmem>>
        %dma_start3A_823 = tpu.memref_squeeze %dma_start3A_822 : memref<1x16x64xf32, #tpu.memory_space<vmem>> -> memref<16x64xf32, #tpu.memory_space<vmem>>
        %dma_start3A_824 = arith.constant 0 : i32
        %dma_start3A_825 = arith.constant 0 : i32
        %dma_start3A_826 = tpu.memref_slice %arg3[%dma_start3A_824, %dma_start3A_825] : memref<1000000x64xf32, #tpu.memory_space<hbm>> -> memref<1000000x64xf32, #tpu.memory_space<hbm>>
        tpu.enqueue_indirect_dma source(%dma_start3A_826 : memref<1000000x64xf32, #tpu.memory_space<hbm>>) target(%dma_start3A_823 : memref<16x64xf32, #tpu.memory_space<vmem>>) offsets(%get3A_818 : vector<16xi32>) semaphore(%arg7 : memref<!tpu.dma_semaphore, #tpu.memory_space<semaphore_mem>>)
        %mul3A_827 = arith.constant 256 : i32
        %mul3A_828 = arith.muli %add3A_616, %mul3A_827 : i32
        %add3A_829 = arith.constant 224 : i32
        %add3A_830 = arith.addi %mul3A_828, %add3A_829 : i32
        %get3A_831 = arith.index_cast %add3A_830 : i32 to index
        %get3A_832 = tpu.vector_load %arg5[%get3A_831] {strides = array<i32>} : memref<25600xi32, #tpu.memory_space<vmem>>, vector<16xi32>,
        %get3A_833 = vector.shape_cast %get3A_832 : vector<16xi32> to vector<16xi32>
        %dma_start3A_834 = arith.constant 0 : i32
        %dma_start3A_835 = arith.constant 224 : i32
        %dma_start3A_836 = arith.constant 0 : i32
        %dma_start3A_837 = tpu.memref_slice %arg6[%dma_start3A_834, %dma_start3A_835, %dma_start3A_836] : memref<2x256x64xf32, #tpu.memory_space<vmem>> -> memref<1x16x64xf32, #tpu.memory_space<vmem>>
        %dma_start3A_838 = tpu.memref_squeeze %dma_start3A_837 : memref<1x16x64xf32, #tpu.memory_space<vmem>> -> memref<16x64xf32, #tpu.memory_space<vmem>>
        %dma_start3A_839 = arith.constant 0 : i32
        %dma_start3A_840 = arith.constant 0 : i32
        %dma_start3A_841 = tpu.memref_slice %arg3[%dma_start3A_839, %dma_start3A_840] : memref<1000000x64xf32, #tpu.memory_space<hbm>> -> memref<1000000x64xf32, #tpu.memory_space<hbm>>
        tpu.enqueue_indirect_dma source(%dma_start3A_841 : memref<1000000x64xf32, #tpu.memory_space<hbm>>) target(%dma_start3A_838 : memref<16x64xf32, #tpu.memory_space<vmem>>) offsets(%get3A_833 : vector<16xi32>) semaphore(%arg7 : memref<!tpu.dma_semaphore, #tpu.memory_space<semaphore_mem>>)
        %mul3A_842 = arith.constant 256 : i32
        %mul3A_843 = arith.muli %add3A_616, %mul3A_842 : i32
        %add3A_844 = arith.constant 240 : i32
        %add3A_845 = arith.addi %mul3A_843, %add3A_844 : i32
        %get3A_846 = arith.index_cast %add3A_845 : i32 to index
        %get3A_847 = tpu.vector_load %arg5[%get3A_846] {strides = array<i32>} : memref<25600xi32, #tpu.memory_space<vmem>>, vector<16xi32>,
        %get3A_848 = vector.shape_cast %get3A_847 : vector<16xi32> to vector<16xi32>
        %dma_start3A_849 = arith.constant 0 : i32
        %dma_start3A_850 = arith.constant 240 : i32
        %dma_start3A_851 = arith.constant 0 : i32
        %dma_start3A_852 = tpu.memref_slice %arg6[%dma_start3A_849, %dma_start3A_850, %dma_start3A_851] : memref<2x256x64xf32, #tpu.memory_space<vmem>> -> memref<1x16x64xf32, #tpu.memory_space<vmem>>
        %dma_start3A_853 = tpu.memref_squeeze %dma_start3A_852 : memref<1x16x64xf32, #tpu.memory_space<vmem>> -> memref<16x64xf32, #tpu.memory_space<vmem>>
        %dma_start3A_854 = arith.constant 0 : i32
        %dma_start3A_855 = arith.constant 0 : i32
        %dma_start3A_856 = tpu.memref_slice %arg3[%dma_start3A_854, %dma_start3A_855] : memref<1000000x64xf32, #tpu.memory_space<hbm>> -> memref<1000000x64xf32, #tpu.memory_space<hbm>>
        tpu.enqueue_indirect_dma source(%dma_start3A_856 : memref<1000000x64xf32, #tpu.memory_space<hbm>>) target(%dma_start3A_853 : memref<16x64xf32, #tpu.memory_space<vmem>>) offsets(%get3A_848 : vector<16xi32>) semaphore(%arg7 : memref<!tpu.dma_semaphore, #tpu.memory_space<semaphore_mem>>)
      } else {
      }
      %get3A_419 = arith.constant 0 : index
      %get3A_420 = tpu.vector_load %arg5[%get3A_419] {strides = array<i32>} : memref<25600xi32, #tpu.memory_space<vmem>>, vector<16xi32>,
      %get3A_421 = vector.shape_cast %get3A_420 : vector<16xi32> to vector<16xi32>
      %dma_wait3A_422 = arith.constant 1 : i32
      %dma_wait3A_423 = arith.constant 0 : i32
      %dma_wait3A_424 = arith.constant 0 : i32
      %dma_wait3A_425 = tpu.memref_slice %arg6[%dma_wait3A_422, %dma_wait3A_423, %dma_wait3A_424] : memref<2x256x64xf32, #tpu.memory_space<vmem>> -> memref<1x16x64xf32, #tpu.memory_space<vmem>>
      %dma_wait3A_426 = tpu.memref_squeeze %dma_wait3A_425 : memref<1x16x64xf32, #tpu.memory_space<vmem>> -> memref<16x64xf32, #tpu.memory_space<vmem>>
      %dma_wait3A_427 = arith.constant 0 : i32
      %dma_wait3A_428 = arith.constant 0 : i32
      %dma_wait3A_429 = tpu.memref_slice %arg3[%dma_wait3A_427, %dma_wait3A_428] : memref<1000000x64xf32, #tpu.memory_space<hbm>> -> memref<1000000x64xf32, #tpu.memory_space<hbm>>
      tpu.wait_indirect_dma semaphore(%arg7 : memref<!tpu.dma_semaphore, #tpu.memory_space<semaphore_mem>>) src(%dma_wait3A_429 : memref<1000000x64xf32, #tpu.memory_space<hbm>>) dst(%dma_wait3A_426 : memref<16x64xf32, #tpu.memory_space<vmem>>)
      %get3A_430 = arith.constant 0 : index
      %get3A_431 = tpu.vector_load %arg5[%get3A_430] {strides = array<i32>} : memref<25600xi32, #tpu.memory_space<vmem>>, vector<16xi32>,
      %get3A_432 = vector.shape_cast %get3A_431 : vector<16xi32> to vector<16xi32>
      %dma_wait3A_433 = arith.constant 1 : i32
      %dma_wait3A_434 = arith.constant 16 : i32
      %dma_wait3A_435 = arith.constant 0 : i32
      %dma_wait3A_436 = tpu.memref_slice %arg6[%dma_wait3A_433, %dma_wait3A_434, %dma_wait3A_435] : memref<2x256x64xf32, #tpu.memory_space<vmem>> -> memref<1x16x64xf32, #tpu.memory_space<vmem>>
      %dma_wait3A_437 = tpu.memref_squeeze %dma_wait3A_436 : memref<1x16x64xf32, #tpu.memory_space<vmem>> -> memref<16x64xf32, #tpu.memory_space<vmem>>
      %dma_wait3A_438 = arith.constant 0 : i32
      %dma_wait3A_439 = arith.constant 0 : i32
      %dma_wait3A_440 = tpu.memref_slice %arg3[%dma_wait3A_438, %dma_wait3A_439] : memref<1000000x64xf32, #tpu.memory_space<hbm>> -> memref<1000000x64xf32, #tpu.memory_space<hbm>>
      tpu.wait_indirect_dma semaphore(%arg7 : memref<!tpu.dma_semaphore, #tpu.memory_space<semaphore_mem>>) src(%dma_wait3A_440 : memref<1000000x64xf32, #tpu.memory_space<hbm>>) dst(%dma_wait3A_437 : memref<16x64xf32, #tpu.memory_space<vmem>>)
      %get3A_441 = arith.constant 0 : index
      %get3A_442 = tpu.vector_load %arg5[%get3A_441] {strides = array<i32>} : memref<25600xi32, #tpu.memory_space<vmem>>, vector<16xi32>,
      %get3A_443 = vector.shape_cast %get3A_442 : vector<16xi32> to vector<16xi32>
      %dma_wait3A_444 = arith.constant 1 : i32
      %dma_wait3A_445 = arith.constant 32 : i32
      %dma_wait3A_446 = arith.constant 0 : i32
      %dma_wait3A_447 = tpu.memref_slice %arg6[%dma_wait3A_444, %dma_wait3A_445, %dma_wait3A_446] : memref<2x256x64xf32, #tpu.memory_space<vmem>> -> memref<1x16x64xf32, #tpu.memory_space<vmem>>
      %dma_wait3A_448 = tpu.memref_squeeze %dma_wait3A_447 : memref<1x16x64xf32, #tpu.memory_space<vmem>> -> memref<16x64xf32, #tpu.memory_space<vmem>>
      %dma_wait3A_449 = arith.constant 0 : i32
      %dma_wait3A_450 = arith.constant 0 : i32
      %dma_wait3A_451 = tpu.memref_slice %arg3[%dma_wait3A_449, %dma_wait3A_450] : memref<1000000x64xf32, #tpu.memory_space<hbm>> -> memref<1000000x64xf32, #tpu.memory_space<hbm>>
      tpu.wait_indirect_dma semaphore(%arg7 : memref<!tpu.dma_semaphore, #tpu.memory_space<semaphore_mem>>) src(%dma_wait3A_451 : memref<1000000x64xf32, #tpu.memory_space<hbm>>) dst(%dma_wait3A_448 : memref<16x64xf32, #tpu.memory_space<vmem>>)
      %get3A_452 = arith.constant 0 : index
      %get3A_453 = tpu.vector_load %arg5[%get3A_452] {strides = array<i32>} : memref<25600xi32, #tpu.memory_space<vmem>>, vector<16xi32>,
      %get3A_454 = vector.shape_cast %get3A_453 : vector<16xi32> to vector<16xi32>
      %dma_wait3A_455 = arith.constant 1 : i32
      %dma_wait3A_456 = arith.constant 48 : i32
      %dma_wait3A_457 = arith.constant 0 : i32
      %dma_wait3A_458 = tpu.memref_slice %arg6[%dma_wait3A_455, %dma_wait3A_456, %dma_wait3A_457] : memref<2x256x64xf32, #tpu.memory_space<vmem>> -> memref<1x16x64xf32, #tpu.memory_space<vmem>>
      %dma_wait3A_459 = tpu.memref_squeeze %dma_wait3A_458 : memref<1x16x64xf32, #tpu.memory_space<vmem>> -> memref<16x64xf32, #tpu.memory_space<vmem>>
      %dma_wait3A_460 = arith.constant 0 : i32
      %dma_wait3A_461 = arith.constant 0 : i32
      %dma_wait3A_462 = tpu.memref_slice %arg3[%dma_wait3A_460, %dma_wait3A_461] : memref<1000000x64xf32, #tpu.memory_space<hbm>> -> memref<1000000x64xf32, #tpu.memory_space<hbm>>
      tpu.wait_indirect_dma semaphore(%arg7 : memref<!tpu.dma_semaphore, #tpu.memory_space<semaphore_mem>>) src(%dma_wait3A_462 : memref<1000000x64xf32, #tpu.memory_space<hbm>>) dst(%dma_wait3A_459 : memref<16x64xf32, #tpu.memory_space<vmem>>)
      %get3A_463 = arith.constant 0 : index
      %get3A_464 = tpu.vector_load %arg5[%get3A_463] {strides = array<i32>} : memref<25600xi32, #tpu.memory_space<vmem>>, vector<16xi32>,
      %get3A_465 = vector.shape_cast %get3A_464 : vector<16xi32> to vector<16xi32>
      %dma_wait3A_466 = arith.constant 1 : i32
      %dma_wait3A_467 = arith.constant 64 : i32
      %dma_wait3A_468 = arith.constant 0 : i32
      %dma_wait3A_469 = tpu.memref_slice %arg6[%dma_wait3A_466, %dma_wait3A_467, %dma_wait3A_468] : memref<2x256x64xf32, #tpu.memory_space<vmem>> -> memref<1x16x64xf32, #tpu.memory_space<vmem>>
      %dma_wait3A_470 = tpu.memref_squeeze %dma_wait3A_469 : memref<1x16x64xf32, #tpu.memory_space<vmem>> -> memref<16x64xf32, #tpu.memory_space<vmem>>
      %dma_wait3A_471 = arith.constant 0 : i32
      %dma_wait3A_472 = arith.constant 0 : i32
      %dma_wait3A_473 = tpu.memref_slice %arg3[%dma_wait3A_471, %dma_wait3A_472] : memref<1000000x64xf32, #tpu.memory_space<hbm>> -> memref<1000000x64xf32, #tpu.memory_space<hbm>>
      tpu.wait_indirect_dma semaphore(%arg7 : memref<!tpu.dma_semaphore, #tpu.memory_space<semaphore_mem>>) src(%dma_wait3A_473 : memref<1000000x64xf32, #tpu.memory_space<hbm>>) dst(%dma_wait3A_470 : memref<16x64xf32, #tpu.memory_space<vmem>>)
      %get3A_474 = arith.constant 0 : index
      %get3A_475 = tpu.vector_load %arg5[%get3A_474] {strides = array<i32>} : memref<25600xi32, #tpu.memory_space<vmem>>, vector<16xi32>,
      %get3A_476 = vector.shape_cast %get3A_475 : vector<16xi32> to vector<16xi32>
      %dma_wait3A_477 = arith.constant 1 : i32
      %dma_wait3A_478 = arith.constant 80 : i32
      %dma_wait3A_479 = arith.constant 0 : i32
      %dma_wait3A_480 = tpu.memref_slice %arg6[%dma_wait3A_477, %dma_wait3A_478, %dma_wait3A_479] : memref<2x256x64xf32, #tpu.memory_space<vmem>> -> memref<1x16x64xf32, #tpu.memory_space<vmem>>
      %dma_wait3A_481 = tpu.memref_squeeze %dma_wait3A_480 : memref<1x16x64xf32, #tpu.memory_space<vmem>> -> memref<16x64xf32, #tpu.memory_space<vmem>>
      %dma_wait3A_482 = arith.constant 0 : i32
      %dma_wait3A_483 = arith.constant 0 : i32
      %dma_wait3A_484 = tpu.memref_slice %arg3[%dma_wait3A_482, %dma_wait3A_483] : memref<1000000x64xf32, #tpu.memory_space<hbm>> -> memref<1000000x64xf32, #tpu.memory_space<hbm>>
      tpu.wait_indirect_dma semaphore(%arg7 : memref<!tpu.dma_semaphore, #tpu.memory_space<semaphore_mem>>) src(%dma_wait3A_484 : memref<1000000x64xf32, #tpu.memory_space<hbm>>) dst(%dma_wait3A_481 : memref<16x64xf32, #tpu.memory_space<vmem>>)
      %get3A_485 = arith.constant 0 : index
      %get3A_486 = tpu.vector_load %arg5[%get3A_485] {strides = array<i32>} : memref<25600xi32, #tpu.memory_space<vmem>>, vector<16xi32>,
      %get3A_487 = vector.shape_cast %get3A_486 : vector<16xi32> to vector<16xi32>
      %dma_wait3A_488 = arith.constant 1 : i32
      %dma_wait3A_489 = arith.constant 96 : i32
      %dma_wait3A_490 = arith.constant 0 : i32
      %dma_wait3A_491 = tpu.memref_slice %arg6[%dma_wait3A_488, %dma_wait3A_489, %dma_wait3A_490] : memref<2x256x64xf32, #tpu.memory_space<vmem>> -> memref<1x16x64xf32, #tpu.memory_space<vmem>>
      %dma_wait3A_492 = tpu.memref_squeeze %dma_wait3A_491 : memref<1x16x64xf32, #tpu.memory_space<vmem>> -> memref<16x64xf32, #tpu.memory_space<vmem>>
      %dma_wait3A_493 = arith.constant 0 : i32
      %dma_wait3A_494 = arith.constant 0 : i32
      %dma_wait3A_495 = tpu.memref_slice %arg3[%dma_wait3A_493, %dma_wait3A_494] : memref<1000000x64xf32, #tpu.memory_space<hbm>> -> memref<1000000x64xf32, #tpu.memory_space<hbm>>
      tpu.wait_indirect_dma semaphore(%arg7 : memref<!tpu.dma_semaphore, #tpu.memory_space<semaphore_mem>>) src(%dma_wait3A_495 : memref<1000000x64xf32, #tpu.memory_space<hbm>>) dst(%dma_wait3A_492 : memref<16x64xf32, #tpu.memory_space<vmem>>)
      %get3A_496 = arith.constant 0 : index
      %get3A_497 = tpu.vector_load %arg5[%get3A_496] {strides = array<i32>} : memref<25600xi32, #tpu.memory_space<vmem>>, vector<16xi32>,
      %get3A_498 = vector.shape_cast %get3A_497 : vector<16xi32> to vector<16xi32>
      %dma_wait3A_499 = arith.constant 1 : i32
      %dma_wait3A_500 = arith.constant 112 : i32
      %dma_wait3A_501 = arith.constant 0 : i32
      %dma_wait3A_502 = tpu.memref_slice %arg6[%dma_wait3A_499, %dma_wait3A_500, %dma_wait3A_501] : memref<2x256x64xf32, #tpu.memory_space<vmem>> -> memref<1x16x64xf32, #tpu.memory_space<vmem>>
      %dma_wait3A_503 = tpu.memref_squeeze %dma_wait3A_502 : memref<1x16x64xf32, #tpu.memory_space<vmem>> -> memref<16x64xf32, #tpu.memory_space<vmem>>
      %dma_wait3A_504 = arith.constant 0 : i32
      %dma_wait3A_505 = arith.constant 0 : i32
      %dma_wait3A_506 = tpu.memref_slice %arg3[%dma_wait3A_504, %dma_wait3A_505] : memref<1000000x64xf32, #tpu.memory_space<hbm>> -> memref<1000000x64xf32, #tpu.memory_space<hbm>>
      tpu.wait_indirect_dma semaphore(%arg7 : memref<!tpu.dma_semaphore, #tpu.memory_space<semaphore_mem>>) src(%dma_wait3A_506 : memref<1000000x64xf32, #tpu.memory_space<hbm>>) dst(%dma_wait3A_503 : memref<16x64xf32, #tpu.memory_space<vmem>>)
      %get3A_507 = arith.constant 0 : index
      %get3A_508 = tpu.vector_load %arg5[%get3A_507] {strides = array<i32>} : memref<25600xi32, #tpu.memory_space<vmem>>, vector<16xi32>,
      %get3A_509 = vector.shape_cast %get3A_508 : vector<16xi32> to vector<16xi32>
      %dma_wait3A_510 = arith.constant 1 : i32
      %dma_wait3A_511 = arith.constant 128 : i32
      %dma_wait3A_512 = arith.constant 0 : i32
      %dma_wait3A_513 = tpu.memref_slice %arg6[%dma_wait3A_510, %dma_wait3A_511, %dma_wait3A_512] : memref<2x256x64xf32, #tpu.memory_space<vmem>> -> memref<1x16x64xf32, #tpu.memory_space<vmem>>
      %dma_wait3A_514 = tpu.memref_squeeze %dma_wait3A_513 : memref<1x16x64xf32, #tpu.memory_space<vmem>> -> memref<16x64xf32, #tpu.memory_space<vmem>>
      %dma_wait3A_515 = arith.constant 0 : i32
      %dma_wait3A_516 = arith.constant 0 : i32
      %dma_wait3A_517 = tpu.memref_slice %arg3[%dma_wait3A_515, %dma_wait3A_516] : memref<1000000x64xf32, #tpu.memory_space<hbm>> -> memref<1000000x64xf32, #tpu.memory_space<hbm>>
      tpu.wait_indirect_dma semaphore(%arg7 : memref<!tpu.dma_semaphore, #tpu.memory_space<semaphore_mem>>) src(%dma_wait3A_517 : memref<1000000x64xf32, #tpu.memory_space<hbm>>) dst(%dma_wait3A_514 : memref<16x64xf32, #tpu.memory_space<vmem>>)
      %get3A_518 = arith.constant 0 : index
      %get3A_519 = tpu.vector_load %arg5[%get3A_518] {strides = array<i32>} : memref<25600xi32, #tpu.memory_space<vmem>>, vector<16xi32>,
      %get3A_520 = vector.shape_cast %get3A_519 : vector<16xi32> to vector<16xi32>
      %dma_wait3A_521 = arith.constant 1 : i32
      %dma_wait3A_522 = arith.constant 144 : i32
      %dma_wait3A_523 = arith.constant 0 : i32
      %dma_wait3A_524 = tpu.memref_slice %arg6[%dma_wait3A_521, %dma_wait3A_522, %dma_wait3A_523] : memref<2x256x64xf32, #tpu.memory_space<vmem>> -> memref<1x16x64xf32, #tpu.memory_space<vmem>>
      %dma_wait3A_525 = tpu.memref_squeeze %dma_wait3A_524 : memref<1x16x64xf32, #tpu.memory_space<vmem>> -> memref<16x64xf32, #tpu.memory_space<vmem>>
      %dma_wait3A_526 = arith.constant 0 : i32
      %dma_wait3A_527 = arith.constant 0 : i32
      %dma_wait3A_528 = tpu.memref_slice %arg3[%dma_wait3A_526, %dma_wait3A_527] : memref<1000000x64xf32, #tpu.memory_space<hbm>> -> memref<1000000x64xf32, #tpu.memory_space<hbm>>
      tpu.wait_indirect_dma semaphore(%arg7 : memref<!tpu.dma_semaphore, #tpu.memory_space<semaphore_mem>>) src(%dma_wait3A_528 : memref<1000000x64xf32, #tpu.memory_space<hbm>>) dst(%dma_wait3A_525 : memref<16x64xf32, #tpu.memory_space<vmem>>)
      %get3A_529 = arith.constant 0 : index
      %get3A_530 = tpu.vector_load %arg5[%get3A_529] {strides = array<i32>} : memref<25600xi32, #tpu.memory_space<vmem>>, vector<16xi32>,
      %get3A_531 = vector.shape_cast %get3A_530 : vector<16xi32> to vector<16xi32>
      %dma_wait3A_532 = arith.constant 1 : i32
      %dma_wait3A_533 = arith.constant 160 : i32
      %dma_wait3A_534 = arith.constant 0 : i32
      %dma_wait3A_535 = tpu.memref_slice %arg6[%dma_wait3A_532, %dma_wait3A_533, %dma_wait3A_534] : memref<2x256x64xf32, #tpu.memory_space<vmem>> -> memref<1x16x64xf32, #tpu.memory_space<vmem>>
      %dma_wait3A_536 = tpu.memref_squeeze %dma_wait3A_535 : memref<1x16x64xf32, #tpu.memory_space<vmem>> -> memref<16x64xf32, #tpu.memory_space<vmem>>
      %dma_wait3A_537 = arith.constant 0 : i32
      %dma_wait3A_538 = arith.constant 0 : i32
      %dma_wait3A_539 = tpu.memref_slice %arg3[%dma_wait3A_537, %dma_wait3A_538] : memref<1000000x64xf32, #tpu.memory_space<hbm>> -> memref<1000000x64xf32, #tpu.memory_space<hbm>>
      tpu.wait_indirect_dma semaphore(%arg7 : memref<!tpu.dma_semaphore, #tpu.memory_space<semaphore_mem>>) src(%dma_wait3A_539 : memref<1000000x64xf32, #tpu.memory_space<hbm>>) dst(%dma_wait3A_536 : memref<16x64xf32, #tpu.memory_space<vmem>>)
      %get3A_540 = arith.constant 0 : index
      %get3A_541 = tpu.vector_load %arg5[%get3A_540] {strides = array<i32>} : memref<25600xi32, #tpu.memory_space<vmem>>, vector<16xi32>,
      %get3A_542 = vector.shape_cast %get3A_541 : vector<16xi32> to vector<16xi32>
      %dma_wait3A_543 = arith.constant 1 : i32
      %dma_wait3A_544 = arith.constant 176 : i32
      %dma_wait3A_545 = arith.constant 0 : i32
      %dma_wait3A_546 = tpu.memref_slice %arg6[%dma_wait3A_543, %dma_wait3A_544, %dma_wait3A_545] : memref<2x256x64xf32, #tpu.memory_space<vmem>> -> memref<1x16x64xf32, #tpu.memory_space<vmem>>
      %dma_wait3A_547 = tpu.memref_squeeze %dma_wait3A_546 : memref<1x16x64xf32, #tpu.memory_space<vmem>> -> memref<16x64xf32, #tpu.memory_space<vmem>>
      %dma_wait3A_548 = arith.constant 0 : i32
      %dma_wait3A_549 = arith.constant 0 : i32
      %dma_wait3A_550 = tpu.memref_slice %arg3[%dma_wait3A_548, %dma_wait3A_549] : memref<1000000x64xf32, #tpu.memory_space<hbm>> -> memref<1000000x64xf32, #tpu.memory_space<hbm>>
      tpu.wait_indirect_dma semaphore(%arg7 : memref<!tpu.dma_semaphore, #tpu.memory_space<semaphore_mem>>) src(%dma_wait3A_550 : memref<1000000x64xf32, #tpu.memory_space<hbm>>) dst(%dma_wait3A_547 : memref<16x64xf32, #tpu.memory_space<vmem>>)
      %get3A_551 = arith.constant 0 : index
      %get3A_552 = tpu.vector_load %arg5[%get3A_551] {strides = array<i32>} : memref<25600xi32, #tpu.memory_space<vmem>>, vector<16xi32>,
      %get3A_553 = vector.shape_cast %get3A_552 : vector<16xi32> to vector<16xi32>
      %dma_wait3A_554 = arith.constant 1 : i32
      %dma_wait3A_555 = arith.constant 192 : i32
      %dma_wait3A_556 = arith.constant 0 : i32
      %dma_wait3A_557 = tpu.memref_slice %arg6[%dma_wait3A_554, %dma_wait3A_555, %dma_wait3A_556] : memref<2x256x64xf32, #tpu.memory_space<vmem>> -> memref<1x16x64xf32, #tpu.memory_space<vmem>>
      %dma_wait3A_558 = tpu.memref_squeeze %dma_wait3A_557 : memref<1x16x64xf32, #tpu.memory_space<vmem>> -> memref<16x64xf32, #tpu.memory_space<vmem>>
      %dma_wait3A_559 = arith.constant 0 : i32
      %dma_wait3A_560 = arith.constant 0 : i32
      %dma_wait3A_561 = tpu.memref_slice %arg3[%dma_wait3A_559, %dma_wait3A_560] : memref<1000000x64xf32, #tpu.memory_space<hbm>> -> memref<1000000x64xf32, #tpu.memory_space<hbm>>
      tpu.wait_indirect_dma semaphore(%arg7 : memref<!tpu.dma_semaphore, #tpu.memory_space<semaphore_mem>>) src(%dma_wait3A_561 : memref<1000000x64xf32, #tpu.memory_space<hbm>>) dst(%dma_wait3A_558 : memref<16x64xf32, #tpu.memory_space<vmem>>)
      %get3A_562 = arith.constant 0 : index
      %get3A_563 = tpu.vector_load %arg5[%get3A_562] {strides = array<i32>} : memref<25600xi32, #tpu.memory_space<vmem>>, vector<16xi32>,
      %get3A_564 = vector.shape_cast %get3A_563 : vector<16xi32> to vector<16xi32>
      %dma_wait3A_565 = arith.constant 1 : i32
      %dma_wait3A_566 = arith.constant 208 : i32
      %dma_wait3A_567 = arith.constant 0 : i32
      %dma_wait3A_568 = tpu.memref_slice %arg6[%dma_wait3A_565, %dma_wait3A_566, %dma_wait3A_567] : memref<2x256x64xf32, #tpu.memory_space<vmem>> -> memref<1x16x64xf32, #tpu.memory_space<vmem>>
      %dma_wait3A_569 = tpu.memref_squeeze %dma_wait3A_568 : memref<1x16x64xf32, #tpu.memory_space<vmem>> -> memref<16x64xf32, #tpu.memory_space<vmem>>
      %dma_wait3A_570 = arith.constant 0 : i32
      %dma_wait3A_571 = arith.constant 0 : i32
      %dma_wait3A_572 = tpu.memref_slice %arg3[%dma_wait3A_570, %dma_wait3A_571] : memref<1000000x64xf32, #tpu.memory_space<hbm>> -> memref<1000000x64xf32, #tpu.memory_space<hbm>>
      tpu.wait_indirect_dma semaphore(%arg7 : memref<!tpu.dma_semaphore, #tpu.memory_space<semaphore_mem>>) src(%dma_wait3A_572 : memref<1000000x64xf32, #tpu.memory_space<hbm>>) dst(%dma_wait3A_569 : memref<16x64xf32, #tpu.memory_space<vmem>>)
      %get3A_573 = arith.constant 0 : index
      %get3A_574 = tpu.vector_load %arg5[%get3A_573] {strides = array<i32>} : memref<25600xi32, #tpu.memory_space<vmem>>, vector<16xi32>,
      %get3A_575 = vector.shape_cast %get3A_574 : vector<16xi32> to vector<16xi32>
      %dma_wait3A_576 = arith.constant 1 : i32
      %dma_wait3A_577 = arith.constant 224 : i32
      %dma_wait3A_578 = arith.constant 0 : i32
      %dma_wait3A_579 = tpu.memref_slice %arg6[%dma_wait3A_576, %dma_wait3A_577, %dma_wait3A_578] : memref<2x256x64xf32, #tpu.memory_space<vmem>> -> memref<1x16x64xf32, #tpu.memory_space<vmem>>
      %dma_wait3A_580 = tpu.memref_squeeze %dma_wait3A_579 : memref<1x16x64xf32, #tpu.memory_space<vmem>> -> memref<16x64xf32, #tpu.memory_space<vmem>>
      %dma_wait3A_581 = arith.constant 0 : i32
      %dma_wait3A_582 = arith.constant 0 : i32
      %dma_wait3A_583 = tpu.memref_slice %arg3[%dma_wait3A_581, %dma_wait3A_582] : memref<1000000x64xf32, #tpu.memory_space<hbm>> -> memref<1000000x64xf32, #tpu.memory_space<hbm>>
      tpu.wait_indirect_dma semaphore(%arg7 : memref<!tpu.dma_semaphore, #tpu.memory_space<semaphore_mem>>) src(%dma_wait3A_583 : memref<1000000x64xf32, #tpu.memory_space<hbm>>) dst(%dma_wait3A_580 : memref<16x64xf32, #tpu.memory_space<vmem>>)
      %get3A_584 = arith.constant 0 : index
      %get3A_585 = tpu.vector_load %arg5[%get3A_584] {strides = array<i32>} : memref<25600xi32, #tpu.memory_space<vmem>>, vector<16xi32>,
      %get3A_586 = vector.shape_cast %get3A_585 : vector<16xi32> to vector<16xi32>
      %dma_wait3A_587 = arith.constant 1 : i32
      %dma_wait3A_588 = arith.constant 240 : i32
      %dma_wait3A_589 = arith.constant 0 : i32
      %dma_wait3A_590 = tpu.memref_slice %arg6[%dma_wait3A_587, %dma_wait3A_588, %dma_wait3A_589] : memref<2x256x64xf32, #tpu.memory_space<vmem>> -> memref<1x16x64xf32, #tpu.memory_space<vmem>>
      %dma_wait3A_591 = tpu.memref_squeeze %dma_wait3A_590 : memref<1x16x64xf32, #tpu.memory_space<vmem>> -> memref<16x64xf32, #tpu.memory_space<vmem>>
      %dma_wait3A_592 = arith.constant 0 : i32
      %dma_wait3A_593 = arith.constant 0 : i32
      %dma_wait3A_594 = tpu.memref_slice %arg3[%dma_wait3A_592, %dma_wait3A_593] : memref<1000000x64xf32, #tpu.memory_space<hbm>> -> memref<1000000x64xf32, #tpu.memory_space<hbm>>
      tpu.wait_indirect_dma semaphore(%arg7 : memref<!tpu.dma_semaphore, #tpu.memory_space<semaphore_mem>>) src(%dma_wait3A_594 : memref<1000000x64xf32, #tpu.memory_space<hbm>>) dst(%dma_wait3A_591 : memref<16x64xf32, #tpu.memory_space<vmem>>)
      %mul3A_595 = arith.constant 256 : i32
      %mul3A_596 = arith.muli %add3A_411, %mul3A_595 : i32
      %add3A_597 = arith.addi %mul3A_2, %mul3A_596 : i32
      %dma_start3A_598 = arith.constant 1 : i32
      %dma_start3A_599 = arith.constant 0 : i32
      %dma_start3A_600 = arith.constant 0 : i32
      %dma_start3A_601 = tpu.memref_slice %arg6[%dma_start3A_598, %dma_start3A_599, %dma_start3A_600] : memref<2x256x64xf32, #tpu.memory_space<vmem>> -> memref<1x256x64xf32, #tpu.memory_space<vmem>>
      %dma_start3A_602 = tpu.memref_squeeze %dma_start3A_601 : memref<1x256x64xf32, #tpu.memory_space<vmem>> -> memref<256x64xf32, #tpu.memory_space<vmem>>
      %dma_start3A_603 = arith.constant 0 : i32
      %dma_start3A_604 = tpu.memref_slice %arg4[%add3A_597, %dma_start3A_603] : memref<819200x64xf32, #tpu.memory_space<hbm>> -> memref<256x64xf32, #tpu.memory_space<hbm>>
      %dma_start3A_605 = arith.constant 0 : i32
      %dma_start3A_606 = tpu.memref_slice %arg4[%add3A_597, %dma_start3A_605] : memref<819200x64xf32, #tpu.memory_space<hbm>> -> memref<256x64xf32, #tpu.memory_space<hbm>>
      %dma_start3A_607 = arith.constant 0 : i32
      %dma_start3A_608 = arith.constant 0 : i32
      %dma_start3A_609 = tpu.memref_slice %arg6[%dma_start3A_598, %dma_start3A_607, %dma_start3A_608] : memref<2x256x64xf32, #tpu.memory_space<vmem>> -> memref<1x256x64xf32, #tpu.memory_space<vmem>>
      %dma_start3A_610 = tpu.memref_squeeze %dma_start3A_609 : memref<1x256x64xf32, #tpu.memory_space<vmem>> -> memref<256x64xf32, #tpu.memory_space<vmem>>
      tpu.enqueue_dma source(%dma_start3A_610 : memref<256x64xf32, #tpu.memory_space<vmem>>) target(%dma_start3A_606 : memref<256x64xf32, #tpu.memory_space<hbm>>) target_semaphore(%arg8 : memref<!tpu.dma_semaphore, #tpu.memory_space<semaphore_mem>>)
    }
    %scan3A_181 = arith.constant 50 : i32
    %dma_wait3A = arith.constant 0 : i32
    %dma_wait3A_182 = arith.constant 0 : i32
    %dma_wait3A_183 = arith.constant 0 : i32
    %dma_wait3A_184 = tpu.memref_slice %arg6[%dma_wait3A, %dma_wait3A_182, %dma_wait3A_183] : memref<2x256x64xf32, #tpu.memory_space<vmem>> -> memref<1x256x64xf32, #tpu.memory_space<vmem>>
    %dma_wait3A_185 = tpu.memref_squeeze %dma_wait3A_184 : memref<1x256x64xf32, #tpu.memory_space<vmem>> -> memref<256x64xf32, #tpu.memory_space<vmem>>
    %dma_wait3A_186 = arith.constant 0 : i32
    %dma_wait3A_187 = tpu.memref_slice %arg4[%mul3A_2, %dma_wait3A_186] : memref<819200x64xf32, #tpu.memory_space<hbm>> -> memref<256x64xf32, #tpu.memory_space<hbm>>
    %dma_wait3A_188 = arith.constant 0 : i32
    %dma_wait3A_189 = tpu.memref_slice %arg4[%mul3A_2, %dma_wait3A_188] : memref<819200x64xf32, #tpu.memory_space<hbm>> -> memref<256x64xf32, #tpu.memory_space<hbm>>
    %dma_wait3A_190 = arith.constant 0 : i32
    %dma_wait3A_191 = arith.constant 0 : i32
    %dma_wait3A_192 = tpu.memref_slice %arg6[%dma_wait3A, %dma_wait3A_190, %dma_wait3A_191] : memref<2x256x64xf32, #tpu.memory_space<vmem>> -> memref<1x256x64xf32, #tpu.memory_space<vmem>>
    %dma_wait3A_193 = tpu.memref_squeeze %dma_wait3A_192 : memref<1x256x64xf32, #tpu.memory_space<vmem>> -> memref<256x64xf32, #tpu.memory_space<vmem>>
    tpu.wait_dma2 semaphore(%arg8 : memref<!tpu.dma_semaphore, #tpu.memory_space<semaphore_mem>>) src(%dma_wait3A_193 : memref<256x64xf32, #tpu.memory_space<vmem>>) dst(%dma_wait3A_189 : memref<256x64xf32, #tpu.memory_space<hbm>>)
    %dma_wait3A_194 = arith.constant 1 : i32
    %dma_wait3A_195 = arith.constant 0 : i32
    %dma_wait3A_196 = arith.constant 0 : i32
    %dma_wait3A_197 = tpu.memref_slice %arg6[%dma_wait3A_194, %dma_wait3A_195, %dma_wait3A_196] : memref<2x256x64xf32, #tpu.memory_space<vmem>> -> memref<1x256x64xf32, #tpu.memory_space<vmem>>
    %dma_wait3A_198 = tpu.memref_squeeze %dma_wait3A_197 : memref<1x256x64xf32, #tpu.memory_space<vmem>> -> memref<256x64xf32, #tpu.memory_space<vmem>>
    %dma_wait3A_199 = arith.constant 0 : i32
    %dma_wait3A_200 = tpu.memref_slice %arg4[%mul3A_2, %dma_wait3A_199] : memref<819200x64xf32, #tpu.memory_space<hbm>> -> memref<256x64xf32, #tpu.memory_space<hbm>>
    %dma_wait3A_201 = arith.constant 0 : i32
    %dma_wait3A_202 = tpu.memref_slice %arg4[%mul3A_2, %dma_wait3A_201] : memref<819200x64xf32, #tpu.memory_space<hbm>> -> memref<256x64xf32, #tpu.memory_space<hbm>>
    %dma_wait3A_203 = arith.constant 0 : i32
    %dma_wait3A_204 = arith.constant 0 : i32
    %dma_wait3A_205 = tpu.memref_slice %arg6[%dma_wait3A_194, %dma_wait3A_203, %dma_wait3A_204] : memref<2x256x64xf32, #tpu.memory_space<vmem>> -> memref<1x256x64xf32, #tpu.memory_space<vmem>>
    %dma_wait3A_206 = tpu.memref_squeeze %dma_wait3A_205 : memref<1x256x64xf32, #tpu.memory_space<vmem>> -> memref<256x64xf32, #tpu.memory_space<vmem>>
    tpu.wait_dma2 semaphore(%arg8 : memref<!tpu.dma_semaphore, #tpu.memory_space<semaphore_mem>>) src(%dma_wait3A_206 : memref<256x64xf32, #tpu.memory_space<vmem>>) dst(%dma_wait3A_202 : memref<256x64xf32, #tpu.memory_space<hbm>>)
    return
  }
}

</mosaic_0001>

<sc_bundles>
// kernel: _gather.3.cloned.1.call-start
scs
__scs_entry_jumppad:
0x0: {  	(pc) =	sbr.rel $0x88, $3  }
0x1: {  	(tag) =	ssettag $0x0;
	lr =	simm.s32 $0x1  }
0x2: {  	[smem:$0x3F9F] =	sst lr;
	_ =	strace $0xD0000000  }
0x3: {  	_ = 	snop  }
0x4: {  	_ = 	snop  }
0x5: {  	_ = 	snop  }
0x6: {  	_ = 	snop  }
0x7: {  	_ = 	snop  }
__scs_overlays_trampoline_lowered:
0x8: {  	[smem:$0x3FAE] =	sst s0  }
0x9: {  	[smem:$0x3FAF] =	sst s1  }
0xa: {  	[smem:$0x3FB0] =	sst s2  }
0xb: {  	[smem:$0x3FB1] =	sst s3  }
0xc: {  	[smem:$0x3FB2] =	sst s4  }
0xd: {  	[smem:$0x3FB3] =	sst s5  }
0xe: {  	[smem:$0x3FB4] =	sst s6  }
0xf: {  	[smem:$0x3FB5] =	sst s7  }
0x10: {  	[smem:$0x3FB6] =	sst s8  }
0x11: {  	[smem:$0x3FB7] =	sst s9;
	s0 =	simm.s32 @!p0 $0x0  }
0x12: {  	s1 =	sld [smem:$0x3F9D];
	s0 =	simm.s32 @p0 $0x1  }
0x13: {  	[smem:$0x3FB8] =	sst s0;
	s0 =	simm.s32 @!p1 $0x0  }
0x14: {  	s2 =	sld [smem:$0x3F9C];
	s0 =	simm.s32 @p1 $0x1  }
0x15: {  	[smem:$0x3FB9] =	sst s0;
	s0 =	simm.s32 @!p2 $0x0  }
0x16: {  	s3 =	sld [smem:$0x3FDB];
	s0 =	simm.s32 @p2 $0x1  }
0x17: {  	s4 =	simm.s32 $0x1BF5;
	[smem:$0x3FBB] =	sst s0  }
0x18: {  	s0 =	sld [smem:$0x3F9E];
	_ =	swait.ge [sflag:s4], $0x0  }
0x19: {  	s7 =	sld [smem:$0x3F9F]  }
0x1a: {  	s8 =	sadd.s32 $0xFFFFE003, lr  }
0x1b: {  	s9 =	sadd.s32 $0xFFFFFEF7, lr;
	s5 =	simm.s32 $0xFFFFFFFF;
	p2 =	slt.u32 s8, $0xFFFFF086  }
0x1c: {  	p1 =	slt.u32 s9, $0xF7A;
	s5 =	simm.s32 @!p2 $0x0  }
0x1d: {  	s5 =	simm.s32 @p1 $0x1;
	p0 =	seq.s32 s7, s2  }
0x1e: {  	s7 =	smul.u32 @!p0 $0xF7A, s2;
	p2 =	seq.s32 @!p0 s5, $0x0  }
0x1f: {  	s9 =	smul.u32 $0xF7A, s1;
	s8 =	simm.s32 @!p0 $0x1BF5;
	p2 =	por !p2, p0  }
0x20: {  	[sflag:s8] =	ssyncset.s32 @!p0 $0xFFFFF086;
	s6 =	sadd.s32 @!p0 s3, s7;
	s7 =	simm.s32 @!p0 $0x108  }
0x21: {  	s3 =	sadd.s32 s3, s9;
	s6 =	sadd.s32 @!p0 $0x88, s6;
	s7 =	simm.s32 @p2 $0x1082  }
0x22: {  	[simem:s7], [sflag:s8] =	dma.local @!p0 [hbm:s6], $0xF7A  }
0x23: {  	s9 =	sor.u32 $0xD0000000, s2;
	s6 =	simm.s32 $0x108;
	_ =	swait.ge @!p0 [sflag:s8], $0x0  }
0x24: {  	s3 =	sadd.s32 $0x88, s3;
	s6 =	simm.s32 @!p1 $0x1082;
	[sflag:s4] =	ssyncset.s32 $0xFFFFF086  }
0x25: {  	[simem:s6], [sflag:s4] =	dma.local [hbm:s3], $0xF7A  }
0x26: {  	[smem:$0x3F9F] =	sst s1;
	(tag) =	ssettag s2;
	_ =	strace s9  }
0x27: {  	s1 =	sld [smem:$0x3FAF]  }
0x28: {  	s2 =	sld [smem:$0x3FB0]  }
0x29: {  	s4 =	sld [smem:$0x3FB2]  }
0x2a: {  	p0 =	seq.s32 s5, $0x0;
	s5 =	sld [smem:$0x3FB3]  }
0x2b: {  	s6 =	sld [smem:$0x3FB4]  }
0x2c: {  	s7 =	sld [smem:$0x3FB5]  }
0x2d: {  	s3 =	simm.s32 $0x108;
	s8 =	sld [smem:$0x3FB6]  }
0x2e: {  	s3 =	simm.s32 @!p0 $0x1082;
	s9 =	sld [smem:$0x3FB7]  }
0x2f: {  	lr =	sadd.s32 s0, s3;
	s0 =	sld [smem:$0x3FAE]  }
0x30: {  	s3 =	sld [smem:$0x3FB1]  }
0x31: {  	[smem:$0x3FBA] =	sst s10  }
0x32: {  	s10 =	sld [smem:$0x3FB8];
	_ =	sdelay $0x3  }
0x33: {  	p0 =	seq.s32 s10, $0x1;
	s10 =	sld [smem:$0x3FBA];
	_ =	sdelay $0x3  }
0x34: {  	[smem:$0x3FBA] =	sst s10  }
0x35: {  	s10 =	sld [smem:$0x3FB9];
	_ =	sdelay $0x3  }
0x36: {  	p1 =	seq.s32 s10, $0x1;
	s10 =	sld [smem:$0x3FBA];
	_ =	sdelay $0x3  }
0x37: {  	[smem:$0x3FBA] =	sst s10  }
0x38: {  	s10 =	sld [smem:$0x3FBB]  }
0x39: {  	_ = 	snop;
	(pc) =	sbr.ind lr, $3  }
0x3a: {  	_ = 	snop  }
0x3b: {  	_ = 	snop  }
0x3c: {  	p2 =	seq.s32 s10, $0x1;
	s10 =	sld [smem:$0x3FBA]  }
0x3d: {  	_ =	shalt  }
0x3e: {  	_ =	shalt  }
0x3f: {  	_ =	shalt  }
0x40: {  	_ =	shalt  }
0x41: {  	_ =	shalt  }
0x42: {  	_ =	shalt  }
0x43: {  	_ =	shalt  }
0x44: {  	_ =	shalt  }
0x45: {  	_ =	shalt  }
0x46: {  	_ =	shalt  }
0x47: {  	_ =	shalt  }
0x48: {  	_ =	shalt  }
0x49: {  	_ =	shalt  }
0x4a: {  	_ =	shalt  }
0x4b: {  	_ =	shalt  }
0x4c: {  	_ =	shalt  }
0x4d: {  	_ =	shalt  }
0x4e: {  	_ =	shalt  }
0x4f: {  	_ =	shalt  }
0x50: {  	_ =	shalt  }
0x51: {  	_ =	shalt  }
0x52: {  	_ =	shalt  }
0x53: {  	_ =	shalt  }
0x54: {  	_ =	shalt  }
0x55: {  	_ =	shalt  }
0x56: {  	_ =	shalt  }
0x57: {  	_ =	shalt  }
0x58: {  	_ =	shalt  }
0x59: {  	_ =	shalt  }
0x5a: {  	_ =	shalt  }
0x5b: {  	_ =	shalt  }
0x5c: {  	_ =	shalt  }
0x5d: {  	_ =	shalt  }
0x5e: {  	_ =	shalt  }
0x5f: {  	_ =	shalt  }
0x60: {  	_ =	shalt  }
0x61: {  	_ =	shalt  }
0x62: {  	_ =	shalt  }
0x63: {  	_ =	shalt  }
0x64: {  	_ =	shalt  }
0x65: {  	_ =	shalt  }
0x66: {  	_ =	shalt  }
0x67: {  	_ =	shalt  }
0x68: {  	_ =	shalt  }
0x69: {  	_ =	shalt  }
0x6a: {  	_ =	shalt  }
0x6b: {  	_ =	shalt  }
0x6c: {  	_ =	shalt  }
0x6d: {  	_ =	shalt  }
0x6e: {  	_ =	shalt  }
0x6f: {  	_ =	shalt  }
0x70: {  	_ =	shalt  }
0x71: {  	_ =	shalt  }
0x72: {  	_ =	shalt  }
0x73: {  	_ =	shalt  }
0x74: {  	_ =	shalt  }
0x75: {  	_ =	shalt  }
0x76: {  	_ =	shalt  }
0x77: {  	_ =	shalt  }
0x78: {  	_ =	shalt  }
0x79: {  	_ =	shalt  }
0x7a: {  	_ =	shalt  }
0x7b: {  	_ =	shalt  }
0x7c: {  	_ =	shalt  }
0x7d: {  	_ =	shalt  }
0x7e: {  	_ =	shalt  }
0x7f: {  	_ =	shalt  }
0x80: {  	_ =	shalt  }
0x81: {  	_ =	shalt  }
0x82: {  	_ =	shalt  }
0x83: {  	_ =	shalt  }
0x84: {  	_ =	shalt  }
0x85: {  	_ =	shalt  }
0x86: {  	_ =	shalt  }
0x87: {  	_ =	shalt  }
.Lfunc_end0:
.L_simem_size_0:
called_computation.1_lowered:
.L_overlay_start_0:
0x88: {  	s2 =	sld [smem:$0x3FD9]  }
0x89: {  	s3 =	sld [smem:$0x3FFE];
	_ =	sdelay $0x1  }
0x8a: {  	s1 =	srdreg.scid  }
0x8b: {  	s0 =	sand.u32 $0x1, s1  }
0x8c: {  	s17 =	sshll.u32 s0, $0xA;
	s2 =	sadd.s32 s3, s2  }
0x8d: {  	s2 =	sadd.s32 s2, s17  }
0x8e: {  	[smem:$0x3FC6] =	sst s2  }
0x8f: {  	_ = 	snop  }
0x90: {  	s2 =	sld [smem:$0x3FD0];
	(tm) =	ssettm $0x1  }
0x91: {  	s18 =	sld [smem:$0x3FFB];
	_ =	sdelay $0x3  }
0x92: {  	_ =	strace s18  }
0x93: {  	s3 =	sld [smem:$0x3FFC];
	_ =	sdelay $0x3  }
0x94: {  	_ =	strace s3  }
0x95: {  	s3 =	sld [smem:$0x3FFD];
	_ =	sdelay $0x3  }
0x96: {  	_ =	strace s3  }
0x97: {  	_ =	strace $0x8FFFFFFF  }
0x98: {  	s19 =	sld [smem:$0x3FDB];
	_ =	sdelay $0x1  }
0x99: {  	s4 =	simm.s32 $_scs_section_size  }
0x9a: {  	s5 =	simm.s32 $_size__tile_overlayer_lowered;
	s6 =	simm.s32 $_tile_overlayer_lowered  }
0x9b: {  	s22 =	simm.s32 $0x1BFF;
	s21 =	sshll.u32 s6, $0x1;
	s3 =	sadd.s32 s4, s19  }
0x9c: {  	s7 =	simm.s32 $0x0;
	s20 =	sshll.u32 s5, $0x1;
	s5 =	sadd.s32 s21, s3  }
0x9d: {  	[timem:s7], [sflag:s22] =	dma.local [hbm:s5], s20  }
0x9e: {  	_ =	swait.ge [sflag:s22], s20  }
0x9f: {  	s4 =	ssub.s32 $0x0, s20;
	[sflag:s22] =	ssyncset.done $0x0  }
0xa0: {  	[sflag:s22] =	ssyncadd.s32 s4;
	_ =	sdelay $0x1  }
0xa1: {  	s23 =	simm.s32 $0x1B8B  }
0xa2: {  	_ =	swait.ge [sflag:s23], $0x1  }
0xa3: {  	[sflag:s23] =	ssyncset.done $0x0  }
0xa4: {  	s25 =	simm.s32 $0x1B8E;
	s24 =	sld [smem:$0x3FFE];
	[sflag:s23] =	ssyncadd.s32 $0xFFFFFFFF  }
0xa5: {  	s26 =	simm.s32 $execute0_lowered;
	[smem:$0x3FD2] =	sst s25  }
0xa6: {  	s5 =	sshll.u32 s26, $0x1;
	_ =	strace $0x80000046;
	[dreg:$0x1] =	wrdreg $0xFFFFFFFF  }
0xa7: {  	s28 =	simm.s32 $_size_execute0_lowered;
	s3 =	sadd.s32 s3, s5;
	[dreg:$0x0] =	wrdreg $0x0  }
0xa8: {  	s5 =	sshll.u32 s28, $0x1;
	[dreg:$0x2] =	wrdreg s3  }
0xa9: {  	[dreg:$0x3] =	wrdreg s5  }
0xaa: {  	[dreg:$0x4] =	wrdreg $0xC0  }
0xab: {  	_ =	task [dreg:s7], $0x5FFFF  }
0xac: {  	[dreg:$0x1] =	wrdreg $0xFFFFFFFF  }
0xad: {  	[dreg:$0x0] =	wrdreg $0x60  }
0xae: {  	[dreg:$0x2] =	wrdreg s24  }
0xaf: {  	[dreg:$0x3] =	wrdreg s2  }
0xb0: {  	[dreg:$0x4] =	wrdreg $0x9  }
0xb1: {  	_ =	task.clear_ibuf [dreg:s7], $0x5FFFF;
	_ =	strace $0x90000046  }
0xb2: {  	s29 =	simm.s32 $0x9;
	_ =	strace $0x80000048  }
0xb3: {  	_ =	swait.ge [sflag:s29], $0x1  }
0xb4: {  	[sflag:s29] =	ssyncadd.s32 $0xFFFFFFFF  }
0xb5: {  	_ =	strace $0x90000048  }
0xb6: {  	_ =	sfence  }
0xb7: {  	s30 =	sld [smem:$0x0];
	_ =	sdelay $0x2  }
0xb8: {  	s31 =	sshll.u32 s1, $0xD;
	s1 =	sshrl.u32 s1, $0x2  }
0xb9: {  	s3 =	sand.u32 $0x4000, s31;
	s1 =	sadd.s32 s1, s30  }
0xba: {  	s0 =	sor.u32 s3, s0;
	s1 =	sshll.u32 s1, $0x11  }
0xbb: {  	s0 =	sor.u32 s1, s0  }
0xbc: {  	s0 =	sadd.s32 $0x8F2B, s0  }
0xbd: {  	[sflag:s0] =	ssyncadd.remote.s32 $0x1  }
0xbe: {  	_ =	sfence.sel $0xFFFF  }
0xbf: {  	[dreg:$0x0] =	wrdreg $0xFFFFFFFF;
	(pc) =	sbr.abs _section_cstart, $3  }
0xc0: {  	[dreg:$0x1] =	wrdreg $0xFFFFFFFF  }
0xc1: {  	_ =	task.clear_ibuf [dreg:s7], $0x2FFFF;
	_ =	strace $0x9FFFFFFF  }
0xc2: {  	(tm) =	ssettm $0x7FFFFFFF  }
0xc3: {  	_ =	shalt  }
tec
execute0_lowered:
.L_overlay_start_1:
0x0: {  	(tag) =	ssettag $0x1  }
0x1: {  	s0 =	rddreg [dreg:$0x0]  }
0x2: {  	s1 =	rddreg [dreg:$0x1]  }
0x3: {  	s2 =	srdreg.scid;
	s5 =	stileid.u32;
	s11 =	simm.s32 $0x7400  }
0x4: {  	s12 =	simm.s32 $0x7800;
	s13 =	simm.s32 $0x7C00;
	s17 =	simm.s32 $0xA800  }
0x5: {  	s18 =	simm.s32 $0xAC00;
	s19 =	simm.s32 $0xB000;
	s20 =	simm.s32 $0xB400  }
0x6: {  	s21 =	simm.s32 $0xB800;
	s22 =	simm.s32 $0xBC00;
	s23 =	simm.s32 $0xC000  }
0x7: {  	s24 =	simm.s32 $0xC400;
	s3 =	sand.u32 $0x1, s2;
	s2 =	simm.s32 $0x0  }
0x8: {  	s25 =	simm.s32 $0xC800;
	s26 =	simm.s32 $0xCC00;
	[smem:$0x7FF] =	sst s2  }
0x9: {  	s28 =	simm.s32 $0xDC00;
	_ =	strace $0x80000047;
	[dreg:$0x5] =	wrdreg s17  }
0xa: {  	s29 =	simm.s32 $0xE000;
	s30 =	simm.s32 $0x1;
	[dreg:$0x6] =	wrdreg s18  }
0xb: {  	s31 =	simm.s32 $0x2;
	s4 =	sshll.u32 s5, $0x1;
	[dreg:$0x7] =	wrdreg s19  }
0xc: {  	s5 =	smul.u32 $0x320000, s5;
	s4 =	sor.u32 s3, s4;
	[dreg:$0x8] =	wrdreg s20  }
0xd: {  	s6 =	smul.u32 $0x190000, s3;
	s14 =	ssub.s32 $0x2, s3;
	[dreg:$0x9] =	wrdreg s21  }
0xe: {  	s3 =	sadd.s32 $0xF42E00, s0;
	s4 =	smul.u32 $0xC80, s4;
	[dreg:$0xa] =	wrdreg s22  }
0xf: {  	s15 =	sshrl.u32 s14, $0x1;
	s17 =	simm.s32 $0x8C00;
	[dreg:$0xb] =	wrdreg s23  }
0x10: {  	s18 =	simm.s32 $0x9000;
	s19 =	simm.s32 $0x9400;
	[dreg:$0xc] =	wrdreg s24  }
0x11: {  	s20 =	simm.s32 $0x9800;
	s21 =	simm.s32 $0x9C00;
	[dreg:$0xd] =	wrdreg s25  }
0x12: {  	s22 =	simm.s32 $0xA000;
	s23 =	simm.s32 $0xA400;
	[dreg:$0xe] =	wrdreg s26  }
0x13: {  	s24 =	simm.s32 $0xD000;
	s25 =	simm.s32 $0xD400;
	s26 =	simm.s32 $0xD800  }
0x14: {  	s5 =	sadd.s32 s6, s5;
	s6 =	simm.s32 $0x3;
	s4 =	sadd.s32 s4, s0  }
0x15: {  	s7 =	sor.u32 $0x4000, s5;
	s0 =	ssub.s32 s14, s15;
	s5 =	sshrl.u32 s5, $0x3  }
0x16: {  	s14 =	simm.s32 $0x8000;
	s15 =	simm.s32 $0x8400;
	s7 =	sshrl.u32 s7, $0x3  }
0x17: {  	s4 =	sadd.s32 $0xA00, s4;
	s16 =	sadd.s32 s7, s1;
	s1 =	sadd.s32 s5, s1  }
0x18: {  	s5 =	smax.u32 s0, $0x1;
	s7 =	simm.s32 $0x6400;
	[dreg:$0x3] =	wrdreg s16  }
0x19: {  	vm0 =	vmmov $0xffff;
	s0 =	simm.s32 $0x0;
	[dreg:$0x4] =	wrdreg s1;
	s16 =	simm.s32 $0x8800  }
.LBB2_1:
0x1a: {  	[tilespmem:s2], [sflag:$0x3] =	stream.linear.gather [hbm4b:s4+s2], $0x6400, $0x38;
	[tilespmem:$0xE400] =	vst v63  }
0x1b: {  	_ =	swait.ge [sflag:s6], $0x6400  }
0x1c: {  	[sflag:s6] =	ssyncset.done $0x0  }
0x1d: {  	[sflag:s6] =	ssyncadd.s32 $0xFFFF9C00  }
0x1e: {  	v0 =	vld [tilespmem:$0x0];
	_ =	sdelay $0x7  }
0x1f: {  	[tilespmem:s7], [sflag:$0x1] =	stream.indirect_vreg.gather [hbm4b:s3+s2], $0x40, v0, vm0, $0xb8;
	[tilespmem:$0xE400] =	vst v63  }
0x20: {  	v0 =	vld [tilespmem:$0x10];
	_ =	sdelay $0x6  }
0x21: {  	s1 =	simm.s32 $0x6800  }
0x22: {  	[tilespmem:s1], [sflag:$0x1] =	stream.indirect_vreg.gather [hbm4b:s3+s2], $0x40, v0, vm0, $0xb8;
	[tilespmem:$0xE400] =	vst v63  }
0x23: {  	v0 =	vld [tilespmem:$0x20];
	_ =	sdelay $0x6  }
0x24: {  	s9 =	simm.s32 $0x6C00  }
0x25: {  	[tilespmem:s9], [sflag:$0x1] =	stream.indirect_vreg.gather [hbm4b:s3+s2], $0x40, v0, vm0, $0xb8;
	[tilespmem:$0xE400] =	vst v63  }
0x26: {  	v0 =	vld [tilespmem:$0x30];
	_ =	sdelay $0x6  }
0x27: {  	s10 =	simm.s32 $0x7000  }
0x28: {  	[tilespmem:s10], [sflag:$0x1] =	stream.indirect_vreg.gather [hbm4b:s3+s2], $0x40, v0, vm0, $0xb8;
	[tilespmem:$0xE400] =	vst v63  }
0x29: {  	v0 =	vld [tilespmem:$0x40];
	_ =	sdelay $0x7  }
0x2a: {  	[tilespmem:s11], [sflag:$0x1] =	stream.indirect_vreg.gather [hbm4b:s3+s2], $0x40, v0, vm0, $0xb8;
	[tilespmem:$0xE400] =	vst v63  }
0x2b: {  	v0 =	vld [tilespmem:$0x50];
	_ =	sdelay $0x7  }
0x2c: {  	[tilespmem:s12], [sflag:$0x1] =	stream.indirect_vreg.gather [hbm4b:s3+s2], $0x40, v0, vm0, $0xb8;
	[tilespmem:$0xE400] =	vst v63  }
0x2d: {  	v0 =	vld [tilespmem:$0x60];
	_ =	sdelay $0x7  }
0x2e: {  	[tilespmem:s13], [sflag:$0x1] =	stream.indirect_vreg.gather [hbm4b:s3+s2], $0x40, v0, vm0, $0xb8;
	[tilespmem:$0xE400] =	vst v63  }
0x2f: {  	v0 =	vld [tilespmem:$0x70];
	_ =	sdelay $0x7  }
0x30: {  	[tilespmem:s14], [sflag:$0x1] =	stream.indirect_vreg.gather [hbm4b:s3+s2], $0x40, v0, vm0, $0xb8;
	[tilespmem:$0xE400] =	vst v63  }
0x31: {  	v0 =	vld [tilespmem:$0x80];
	_ =	sdelay $0x7  }
0x32: {  	[tilespmem:s15], [sflag:$0x1] =	stream.indirect_vreg.gather [hbm4b:s3+s2], $0x40, v0, vm0, $0xb8;
	[tilespmem:$0xE400] =	vst v63  }
0x33: {  	v0 =	vld [tilespmem:$0x90];
	_ =	sdelay $0x7  }
0x34: {  	[tilespmem:s16], [sflag:$0x1] =	stream.indirect_vreg.gather [hbm4b:s3+s2], $0x40, v0, vm0, $0xb8;
	[tilespmem:$0xE400] =	vst v63  }
0x35: {  	v0 =	vld [tilespmem:$0xA0];
	_ =	sdelay $0x7  }
0x36: {  	[tilespmem:s17], [sflag:$0x1] =	stream.indirect_vreg.gather [hbm4b:s3+s2], $0x40, v0, vm0, $0xb8;
	[tilespmem:$0xE400] =	vst v63  }
0x37: {  	v0 =	vld [tilespmem:$0xB0];
	_ =	sdelay $0x7  }
0x38: {  	[tilespmem:s18], [sflag:$0x1] =	stream.indirect_vreg.gather [hbm4b:s3+s2], $0x40, v0, vm0, $0xb8;
	[tilespmem:$0xE400] =	vst v63  }
0x39: {  	v0 =	vld [tilespmem:$0xC0];
	_ =	sdelay $0x7  }
0x3a: {  	[tilespmem:s19], [sflag:$0x1] =	stream.indirect_vreg.gather [hbm4b:s3+s2], $0x40, v0, vm0, $0xb8;
	[tilespmem:$0xE400] =	vst v63  }
0x3b: {  	v0 =	vld [tilespmem:$0xD0];
	_ =	sdelay $0x7  }
0x3c: {  	[tilespmem:s20], [sflag:$0x1] =	stream.indirect_vreg.gather [hbm4b:s3+s2], $0x40, v0, vm0, $0xb8;
	[tilespmem:$0xE400] =	vst v63  }
0x3d: {  	v0 =	vld [tilespmem:$0xE0];
	_ =	sdelay $0x7  }
0x3e: {  	[tilespmem:s21], [sflag:$0x1] =	stream.indirect_vreg.gather [hbm4b:s3+s2], $0x40, v0, vm0, $0xb8;
	[tilespmem:$0xE400] =	vst v63  }
0x3f: {  	v0 =	vld [tilespmem:$0xF0];
	_ =	sdelay $0x6  }
0x40: {  	s8 =	simm.s32 $0x0;
	s1 =	simm.s32 $0x180  }
0x41: {  	[tilespmem:s22], [sflag:$0x1] =	stream.indirect_vreg.gather [hbm4b:s3+s2], $0x40, v0, vm0, $0xb8;
	[tilespmem:$0xE400] =	vst v63  }
.LBB2_2:
0x42: {  	p0 =	seq.s32 s8, $0x0  }
0x43: {  	s9 =	simm.s32 @!p0 $0x2  }
0x44: {  	_ =	swait.ge @!p0 [sflag:s9], $0x4000  }
0x45: {  	[sflag:s9] =	ssyncset.done @!p0 $0x0  }
0x46: {  	[sflag:s9] =	ssyncadd.s32 @!p0 $0xFFFFC000  }
0x47: {  	v0 =	vld [tilespmem:s1+$0xFFFFFF80];
	_ =	sdelay $0x7  }
0x48: {  	[tilespmem:s23], [sflag:$0x1] =	stream.indirect_vreg.gather [hbm4b:s3+s2], $0x40, v0, vm0, $0xb8;
	[tilespmem:$0xE400] =	vst v63  }
0x49: {  	v0 =	vld [tilespmem:s1+$0xFFFFFF90];
	_ =	sdelay $0x6  }
0x4a: {  	s10 =	rddreg [dreg:$0x5]  }
0x4b: {  	[tilespmem:s10], [sflag:$0x1] =	stream.indirect_vreg.gather [hbm4b:s3+s2], $0x40, v0, vm0, $0xb8;
	[tilespmem:$0xE400] =	vst v63  }
0x4c: {  	v0 =	vld [tilespmem:s1+$0xFFFFFFA0];
	_ =	sdelay $0x6  }
0x4d: {  	s10 =	rddreg [dreg:$0x6]  }
0x4e: {  	[tilespmem:s10], [sflag:$0x1] =	stream.indirect_vreg.gather [hbm4b:s3+s2], $0x40, v0, vm0, $0xb8;
	[tilespmem:$0xE400] =	vst v63  }
0x4f: {  	v0 =	vld [tilespmem:s1+$0xFFFFFFB0];
	_ =	sdelay $0x6  }
0x50: {  	s10 =	rddreg [dreg:$0x7]  }
0x51: {  	[tilespmem:s10], [sflag:$0x1] =	stream.indirect_vreg.gather [hbm4b:s3+s2], $0x40, v0, vm0, $0xb8;
	[tilespmem:$0xE400] =	vst v63  }
0x52: {  	v0 =	vld [tilespmem:s1+$0xFFFFFFC0];
	_ =	sdelay $0x6  }
0x53: {  	s10 =	rddreg [dreg:$0x8]  }
0x54: {  	[tilespmem:s10], [sflag:$0x1] =	stream.indirect_vreg.gather [hbm4b:s3+s2], $0x40, v0, vm0, $0xb8;
	[tilespmem:$0xE400] =	vst v63  }
0x55: {  	v0 =	vld [tilespmem:s1+$0xFFFFFFD0];
	_ =	sdelay $0x6  }
0x56: {  	s10 =	rddreg [dreg:$0x9]  }
0x57: {  	[tilespmem:s10], [sflag:$0x1] =	stream.indirect_vreg.gather [hbm4b:s3+s2], $0x40, v0, vm0, $0xb8;
	[tilespmem:$0xE400] =	vst v63  }
0x58: {  	v0 =	vld [tilespmem:s1+$0xFFFFFFE0];
	_ =	sdelay $0x6  }
0x59: {  	s10 =	rddreg [dreg:$0xa]  }
0x5a: {  	[tilespmem:s10], [sflag:$0x1] =	stream.indirect_vreg.gather [hbm4b:s3+s2], $0x40, v0, vm0, $0xb8;
	[tilespmem:$0xE400] =	vst v63  }
0x5b: {  	v0 =	vld [tilespmem:s1+$0xFFFFFFF0];
	_ =	sdelay $0x6  }
0x5c: {  	s10 =	rddreg [dreg:$0xb]  }
0x5d: {  	[tilespmem:s10], [sflag:$0x1] =	stream.indirect_vreg.gather [hbm4b:s3+s2], $0x40, v0, vm0, $0xb8;
	[tilespmem:$0xE400] =	vst v63  }
0x5e: {  	v0 =	vld [tilespmem:s1+$0x0];
	_ =	sdelay $0x6  }
0x5f: {  	s10 =	rddreg [dreg:$0xc]  }
0x60: {  	[tilespmem:s10], [sflag:$0x1] =	stream.indirect_vreg.gather [hbm4b:s3+s2], $0x40, v0, vm0, $0xb8;
	[tilespmem:$0xE400] =	vst v63  }
0x61: {  	v0 =	vld [tilespmem:s1+$0x10];
	_ =	sdelay $0x6  }
0x62: {  	s10 =	rddreg [dreg:$0xd]  }
0x63: {  	[tilespmem:s10], [sflag:$0x1] =	stream.indirect_vreg.gather [hbm4b:s3+s2], $0x40, v0, vm0, $0xb8;
	[tilespmem:$0xE400] =	vst v63  }
0x64: {  	v0 =	vld [tilespmem:s1+$0x20];
	_ =	sdelay $0x6  }
0x65: {  	s10 =	rddreg [dreg:$0xe]  }
0x66: {  	[tilespmem:s10], [sflag:$0x1] =	stream.indirect_vreg.gather [hbm4b:s3+s2], $0x40, v0, vm0, $0xb8;
	[tilespmem:$0xE400] =	vst v63  }
0x67: {  	v0 =	vld [tilespmem:s1+$0x30];
	_ =	sdelay $0x7  }
0x68: {  	[tilespmem:s24], [sflag:$0x1] =	stream.indirect_vreg.gather [hbm4b:s3+s2], $0x40, v0, vm0, $0xb8;
	[tilespmem:$0xE400] =	vst v63  }
0x69: {  	v0 =	vld [tilespmem:s1+$0x40];
	_ =	sdelay $0x7  }
0x6a: {  	[tilespmem:s25], [sflag:$0x1] =	stream.indirect_vreg.gather [hbm4b:s3+s2], $0x40, v0, vm0, $0xb8;
	[tilespmem:$0xE400] =	vst v63  }
0x6b: {  	v0 =	vld [tilespmem:s1+$0x50];
	_ =	sdelay $0x7  }
0x6c: {  	[tilespmem:s26], [sflag:$0x1] =	stream.indirect_vreg.gather [hbm4b:s3+s2], $0x40, v0, vm0, $0xb8;
	[tilespmem:$0xE400] =	vst v63  }
0x6d: {  	v0 =	vld [tilespmem:s1+$0x60];
	_ =	sdelay $0x7  }
0x6e: {  	[tilespmem:s28], [sflag:$0x1] =	stream.indirect_vreg.gather [hbm4b:s3+s2], $0x40, v0, vm0, $0xb8;
	[tilespmem:$0xE400] =	vst v63  }
0x6f: {  	v0 =	vld [tilespmem:s1+$0x70];
	_ =	sdelay $0x7  }
0x70: {  	[tilespmem:s29], [sflag:$0x1] =	stream.indirect_vreg.gather [hbm4b:s3+s2], $0x40, v0, vm0, $0xb8;
	[tilespmem:$0xE400] =	vst v63  }
0x71: {  	_ =	swait.ge [sflag:s30], $0x400  }
0x72: {  	[sflag:s30] =	ssyncset.done $0x0  }
0x73: {  	[sflag:s30] =	ssyncadd.s32 $0xFFFFFC00  }
0x74: {  	_ =	swait.ge [sflag:s30], $0x400  }
0x75: {  	[sflag:s30] =	ssyncset.done $0x0  }
0x76: {  	[sflag:s30] =	ssyncadd.s32 $0xFFFFFC00  }
0x77: {  	_ =	swait.ge [sflag:s30], $0x400  }
0x78: {  	[sflag:s30] =	ssyncset.done $0x0  }
0x79: {  	[sflag:s30] =	ssyncadd.s32 $0xFFFFFC00  }
0x7a: {  	_ =	swait.ge [sflag:s30], $0x400  }
0x7b: {  	[sflag:s30] =	ssyncset.done $0x0  }
0x7c: {  	[sflag:s30] =	ssyncadd.s32 $0xFFFFFC00  }
0x7d: {  	_ =	swait.ge [sflag:s30], $0x400  }
0x7e: {  	[sflag:s30] =	ssyncset.done $0x0  }
0x7f: {  	[sflag:s30] =	ssyncadd.s32 $0xFFFFFC00  }
0x80: {  	_ =	swait.ge [sflag:s30], $0x400  }
0x81: {  	[sflag:s30] =	ssyncset.done $0x0  }
0x82: {  	[sflag:s30] =	ssyncadd.s32 $0xFFFFFC00  }
0x83: {  	_ =	swait.ge [sflag:s30], $0x400  }
0x84: {  	[sflag:s30] =	ssyncset.done $0x0  }
0x85: {  	[sflag:s30] =	ssyncadd.s32 $0xFFFFFC00  }
0x86: {  	_ =	swait.ge [sflag:s30], $0x400  }
0x87: {  	[sflag:s30] =	ssyncset.done $0x0  }
0x88: {  	[sflag:s30] =	ssyncadd.s32 $0xFFFFFC00  }
0x89: {  	_ =	swait.ge [sflag:s30], $0x400  }
0x8a: {  	[sflag:s30] =	ssyncset.done $0x0  }
0x8b: {  	[sflag:s30] =	ssyncadd.s32 $0xFFFFFC00  }
0x8c: {  	_ =	swait.ge [sflag:s30], $0x400  }
0x8d: {  	[sflag:s30] =	ssyncset.done $0x0  }
0x8e: {  	[sflag:s30] =	ssyncadd.s32 $0xFFFFFC00  }
0x8f: {  	_ =	swait.ge [sflag:s30], $0x400  }
0x90: {  	[sflag:s30] =	ssyncset.done $0x0  }
0x91: {  	[sflag:s30] =	ssyncadd.s32 $0xFFFFFC00  }
0x92: {  	_ =	swait.ge [sflag:s30], $0x400  }
0x93: {  	[sflag:s30] =	ssyncset.done $0x0  }
0x94: {  	[sflag:s30] =	ssyncadd.s32 $0xFFFFFC00  }
0x95: {  	_ =	swait.ge [sflag:s30], $0x400  }
0x96: {  	[sflag:s30] =	ssyncset.done $0x0  }
0x97: {  	[sflag:s30] =	ssyncadd.s32 $0xFFFFFC00  }
0x98: {  	_ =	swait.ge [sflag:s30], $0x400  }
0x99: {  	[sflag:s30] =	ssyncset.done $0x0  }
0x9a: {  	[sflag:s30] =	ssyncadd.s32 $0xFFFFFC00  }
0x9b: {  	_ =	swait.ge [sflag:s30], $0x400  }
0x9c: {  	[sflag:s30] =	ssyncset.done $0x0  }
0x9d: {  	[sflag:s30] =	ssyncadd.s32 $0xFFFFFC00  }
0x9e: {  	_ =	swait.ge [sflag:s30], $0x400  }
0x9f: {  	s10 =	rddreg [dreg:$0x4];
	[sflag:s30] =	ssyncset.done $0x0  }
0xa0: {  	p0 =	seq.s32 s8, $0x31000;
	[sflag:s30] =	ssyncadd.s32 $0xFFFFFC00;
	s9 =	sadd.s32 s8, s10  }
0xa1: {  	[hbm4b:s9+s2] =	stream.linear.scatter [tilespmem:s7], [sflag:$0x2], $0x4000, $0x38;
	[tilespmem:$0xE400] =	vst v63  }
0xa2: {  	s9 =	simm.s32 @!p0 $0x2  }
0xa3: {  	_ =	swait.ge @!p0 [sflag:s9], $0x4000  }
0xa4: {  	[sflag:s9] =	ssyncset.done @!p0 $0x0  }
0xa5: {  	[sflag:s9] =	ssyncadd.s32 @!p0 $0xFFFFC000  }
0xa6: {  	v0 =	vld @!p0 [tilespmem:s1+$0x80];
	_ =	sdelay $0x6  }
0xa7: {  	vm1 =	vmmov @!p0 $0xffff;
	s10 =	simm.s32 @!p0 $0x6400;
	s9 =	simm.s32 @!p0 $0x0  }
0xa8: {  	[tilespmem:s10], [sflag:$0x1] =	stream.indirect_vreg.gather @!p0 [hbm4b:s3+s9], $0x40, v0, vm1, $0xb8;
	[tilespmem:$0xE400] =	vst v63  }
0xa9: {  	v0 =	vld @!p0 [tilespmem:s1+$0x90];
	_ =	sdelay $0x6  }
0xaa: {  	s10 =	simm.s32 @!p0 $0x6800  }
0xab: {  	[tilespmem:s10], [sflag:$0x1] =	stream.indirect_vreg.gather @!p0 [hbm4b:s3+s9], $0x40, v0, vm1, $0xb8;
	[tilespmem:$0xE400] =	vst v63  }
0xac: {  	v0 =	vld @!p0 [tilespmem:s1+$0xA0];
	_ =	sdelay $0x6  }
0xad: {  	s10 =	simm.s32 @!p0 $0x6C00  }
0xae: {  	[tilespmem:s10], [sflag:$0x1] =	stream.indirect_vreg.gather @!p0 [hbm4b:s3+s9], $0x40, v0, vm1, $0xb8;
	[tilespmem:$0xE400] =	vst v63  }
0xaf: {  	v0 =	vld @!p0 [tilespmem:s1+$0xB0];
	_ =	sdelay $0x6  }
0xb0: {  	s10 =	simm.s32 @!p0 $0x7000  }
0xb1: {  	[tilespmem:s10], [sflag:$0x1] =	stream.indirect_vreg.gather @!p0 [hbm4b:s3+s9], $0x40, v0, vm1, $0xb8;
	[tilespmem:$0xE400] =	vst v63  }
0xb2: {  	v0 =	vld @!p0 [tilespmem:s1+$0xC0];
	_ =	sdelay $0x6  }
0xb3: {  	s10 =	simm.s32 @!p0 $0x7400  }
0xb4: {  	[tilespmem:s10], [sflag:$0x1] =	stream.indirect_vreg.gather @!p0 [hbm4b:s3+s9], $0x40, v0, vm1, $0xb8;
	[tilespmem:$0xE400] =	vst v63  }
0xb5: {  	v0 =	vld @!p0 [tilespmem:s1+$0xD0];
	_ =	sdelay $0x6  }
0xb6: {  	s10 =	simm.s32 @!p0 $0x7800  }
0xb7: {  	[tilespmem:s10], [sflag:$0x1] =	stream.indirect_vreg.gather @!p0 [hbm4b:s3+s9], $0x40, v0, vm1, $0xb8;
	[tilespmem:$0xE400] =	vst v63  }
0xb8: {  	v0 =	vld @!p0 [tilespmem:s1+$0xE0];
	_ =	sdelay $0x6  }
0xb9: {  	s10 =	simm.s32 @!p0 $0x7C00  }
0xba: {  	[tilespmem:s10], [sflag:$0x1] =	stream.indirect_vreg.gather @!p0 [hbm4b:s3+s9], $0x40, v0, vm1, $0xb8;
	[tilespmem:$0xE400] =	vst v63  }
0xbb: {  	v0 =	vld @!p0 [tilespmem:s1+$0xF0];
	_ =	sdelay $0x6  }
0xbc: {  	s10 =	simm.s32 @!p0 $0x8000  }
0xbd: {  	[tilespmem:s10], [sflag:$0x1] =	stream.indirect_vreg.gather @!p0 [hbm4b:s3+s9], $0x40, v0, vm1, $0xb8;
	[tilespmem:$0xE400] =	vst v63  }
0xbe: {  	v0 =	vld @!p0 [tilespmem:s1+$0x100];
	_ =	sdelay $0x6  }
0xbf: {  	s10 =	simm.s32 @!p0 $0x8400  }
0xc0: {  	[tilespmem:s10], [sflag:$0x1] =	stream.indirect_vreg.gather @!p0 [hbm4b:s3+s9], $0x40, v0, vm1, $0xb8;
	[tilespmem:$0xE400] =	vst v63  }
0xc1: {  	v0 =	vld @!p0 [tilespmem:s1+$0x110];
	_ =	sdelay $0x6  }
0xc2: {  	s10 =	simm.s32 @!p0 $0x8800  }
0xc3: {  	[tilespmem:s10], [sflag:$0x1] =	stream.indirect_vreg.gather @!p0 [hbm4b:s3+s9], $0x40, v0, vm1, $0xb8;
	[tilespmem:$0xE400] =	vst v63  }
0xc4: {  	v0 =	vld @!p0 [tilespmem:s1+$0x120];
	_ =	sdelay $0x6  }
0xc5: {  	s10 =	simm.s32 @!p0 $0x8C00  }
0xc6: {  	[tilespmem:s10], [sflag:$0x1] =	stream.indirect_vreg.gather @!p0 [hbm4b:s3+s9], $0x40, v0, vm1, $0xb8;
	[tilespmem:$0xE400] =	vst v63  }
0xc7: {  	v0 =	vld @!p0 [tilespmem:s1+$0x130];
	_ =	sdelay $0x6  }
0xc8: {  	s10 =	simm.s32 @!p0 $0x9000  }
0xc9: {  	[tilespmem:s10], [sflag:$0x1] =	stream.indirect_vreg.gather @!p0 [hbm4b:s3+s9], $0x40, v0, vm1, $0xb8;
	[tilespmem:$0xE400] =	vst v63  }
0xca: {  	v0 =	vld @!p0 [tilespmem:s1+$0x140];
	_ =	sdelay $0x6  }
0xcb: {  	s10 =	simm.s32 @!p0 $0x9400  }
0xcc: {  	[tilespmem:s10], [sflag:$0x1] =	stream.indirect_vreg.gather @!p0 [hbm4b:s3+s9], $0x40, v0, vm1, $0xb8;
	[tilespmem:$0xE400] =	vst v63  }
0xcd: {  	v0 =	vld @!p0 [tilespmem:s1+$0x150];
	_ =	sdelay $0x6  }
0xce: {  	s10 =	simm.s32 @!p0 $0x9800  }
0xcf: {  	[tilespmem:s10], [sflag:$0x1] =	stream.indirect_vreg.gather @!p0 [hbm4b:s3+s9], $0x40, v0, vm1, $0xb8;
	[tilespmem:$0xE400] =	vst v63  }
0xd0: {  	v0 =	vld @!p0 [tilespmem:s1+$0x160];
	_ =	sdelay $0x6  }
0xd1: {  	s10 =	simm.s32 @!p0 $0x9C00  }
0xd2: {  	[tilespmem:s10], [sflag:$0x1] =	stream.indirect_vreg.gather @!p0 [hbm4b:s3+s9], $0x40, v0, vm1, $0xb8;
	[tilespmem:$0xE400] =	vst v63  }
0xd3: {  	v0 =	vld @!p0 [tilespmem:s1+$0x170];
	_ =	sdelay $0x6  }
0xd4: {  	s10 =	simm.s32 @!p0 $0xA000  }
0xd5: {  	[tilespmem:s10], [sflag:$0x1] =	stream.indirect_vreg.gather @!p0 [hbm4b:s3+s9], $0x40, v0, vm1, $0xb8;
	[tilespmem:$0xE400] =	vst v63  }
0xd6: {  	_ =	swait.ge [sflag:s30], $0x400  }
0xd7: {  	[sflag:s30] =	ssyncset.done $0x0  }
0xd8: {  	[sflag:s30] =	ssyncadd.s32 $0xFFFFFC00  }
0xd9: {  	_ =	swait.ge [sflag:s30], $0x400  }
0xda: {  	[sflag:s30] =	ssyncset.done $0x0  }
0xdb: {  	[sflag:s30] =	ssyncadd.s32 $0xFFFFFC00  }
0xdc: {  	_ =	swait.ge [sflag:s30], $0x400  }
0xdd: {  	[sflag:s30] =	ssyncset.done $0x0  }
0xde: {  	[sflag:s30] =	ssyncadd.s32 $0xFFFFFC00  }
0xdf: {  	_ =	swait.ge [sflag:s30], $0x400  }
0xe0: {  	[sflag:s30] =	ssyncset.done $0x0  }
0xe1: {  	[sflag:s30] =	ssyncadd.s32 $0xFFFFFC00  }
0xe2: {  	_ =	swait.ge [sflag:s30], $0x400  }
0xe3: {  	[sflag:s30] =	ssyncset.done $0x0  }
0xe4: {  	[sflag:s30] =	ssyncadd.s32 $0xFFFFFC00  }
0xe5: {  	_ =	swait.ge [sflag:s30], $0x400  }
0xe6: {  	[sflag:s30] =	ssyncset.done $0x0  }
0xe7: {  	[sflag:s30] =	ssyncadd.s32 $0xFFFFFC00  }
0xe8: {  	_ =	swait.ge [sflag:s30], $0x400  }
0xe9: {  	[sflag:s30] =	ssyncset.done $0x0  }
0xea: {  	[sflag:s30] =	ssyncadd.s32 $0xFFFFFC00  }
0xeb: {  	_ =	swait.ge [sflag:s30], $0x400  }
0xec: {  	[sflag:s30] =	ssyncset.done $0x0  }
0xed: {  	[sflag:s30] =	ssyncadd.s32 $0xFFFFFC00  }
0xee: {  	_ =	swait.ge [sflag:s30], $0x400  }
0xef: {  	[sflag:s30] =	ssyncset.done $0x0  }
0xf0: {  	[sflag:s30] =	ssyncadd.s32 $0xFFFFFC00  }
0xf1: {  	_ =	swait.ge [sflag:s30], $0x400  }
0xf2: {  	[sflag:s30] =	ssyncset.done $0x0  }
0xf3: {  	[sflag:s30] =	ssyncadd.s32 $0xFFFFFC00  }
0xf4: {  	_ =	swait.ge [sflag:s30], $0x400  }
0xf5: {  	[sflag:s30] =	ssyncset.done $0x0  }
0xf6: {  	[sflag:s30] =	ssyncadd.s32 $0xFFFFFC00  }
0xf7: {  	_ =	swait.ge [sflag:s30], $0x400  }
0xf8: {  	[sflag:s30] =	ssyncset.done $0x0  }
0xf9: {  	[sflag:s30] =	ssyncadd.s32 $0xFFFFFC00  }
0xfa: {  	_ =	swait.ge [sflag:s30], $0x400  }
0xfb: {  	[sflag:s30] =	ssyncset.done $0x0  }
0xfc: {  	[sflag:s30] =	ssyncadd.s32 $0xFFFFFC00  }
0xfd: {  	_ =	swait.ge [sflag:s30], $0x400  }
0xfe: {  	[sflag:s30] =	ssyncset.done $0x0  }
0xff: {  	[sflag:s30] =	ssyncadd.s32 $0xFFFFFC00  }
0x100: {  	_ =	swait.ge [sflag:s30], $0x400  }
0x101: {  	[sflag:s30] =	ssyncset.done $0x0  }
0x102: {  	[sflag:s30] =	ssyncadd.s32 $0xFFFFFC00  }
0x103: {  	_ =	swait.ge [sflag:s30], $0x400  }
0x104: {  	s10 =	rddreg [dreg:$0x3]  }
0x105: {  	s9 =	sadd.s32 s8, s10;
	s8 =	sadd.s32 $0x1000, s8  }
0x106: {  	p0 =	sne.s32 s8, $0x32000  }
.Ltmp0:
0x107: {  	_ = 	snop;
	(pc) =	sbr.rel @p0 .LBB2_2-.Ltmp0, $4  }
0x108: {  	_ = 	snop  }
0x109: {  	[sflag:s30] =	ssyncset.done $0x0  }
0x10a: {  	s1 =	sadd.s32 $0x200, s1;
	[sflag:s30] =	ssyncadd.s32 $0xFFFFFC00  }
0x10b: {  	[hbm4b:s9+s2] =	stream.linear.scatter [tilespmem:s23], [sflag:$0x2], $0x4000, $0x38;
	[tilespmem:$0xE400] =	vst v63  }
0x10c: {  	s0 =	sadd.s32 $0x1, s0  }
0x10d: {  	_ =	swait.ge [sflag:s31], $0x4000;
	p0 =	sne.s32 s0, s5  }
.Ltmp1:
0x10e: {  	[sflag:s31] =	ssyncset.done $0x0;
	(pc) =	sbr.rel @p0 .LBB2_1-.Ltmp1, $4  }
0x10f: {  	[sflag:s31] =	ssyncadd.s32 $0xFFFFC000  }
0x110: {  	_ =	swait.ge [sflag:s31], $0x4000  }
0x111: {  	[sflag:s31] =	ssyncset.done $0x0  }
0x112: {  	[sflag:s31] =	ssyncadd.s32 $0xFFFFC000  }
0x113: {  	_ =	sfence.sel $0x180000  }
0x114: {  	[bflag:$0x0] =	sbarrier.arrive $0xFFFF  }
0x115: {  	_ =	strace $0x90000047  }
0x116: {  	s0 =	stileid.u32;
	[bflag:$0x2] =	sbarrier.arrive $0xFFFF  }
0x117: {  	p0 =	sne.s32 s0, $0x0;
	s0 =	rddreg [dreg:$0x2]  }
0x118: {  	s0 =	sadd.s32 @!p0 $0x100000, s0  }
0x119: {  	[sflag:s0] =	ssyncadd.tile.s32 @!p0 $0x1;
	_ =	shalt  }
.Lfunc_end2:
_tile_overlayer_lowered:
.L_overlay_start_2:
0x11a: {  	(tag) =	ssettag $0x2  }
0x11b: {  	s0 =	rddreg [dreg:$0x0];
	s2 =	stileid.u32  }
0x11c: {  	s1 =	rddreg [dreg:$0x1];
	p0 =	sne.s32 s2, $0x0  }
0x11d: {  	s3 =	rddreg [dreg:$0x2];
	[bflag:$0x3] =	sbarrier.arrive $0xFFFF;
	s2 =	simm.s32 @!p0 $0x1C03  }
0x11e: {  	[timem:s3], [sflag:s2] =	dma.local @!p0 [hbm:s0], s1  }
0x11f: {  	s0 =	simm.s32 @!p0 $0x3  }
0x120: {  	_ =	swait.ge @!p0 [sflag:s0], s1  }
0x121: {  	s1 =	ssub.s32 @!p0 $0x0, s1;
	[sflag:s0] =	ssyncset.done @!p0 $0x0  }
0x122: {  	[sflag:s0] =	ssyncadd.s32 @!p0 s1  }
0x123: {  	[bflag:$0x3] =	sbarrier.arrive $0xFFFF  }
0x124: {  	_ =	shalt  }

// kernel: sparse-core-data-format-call.cloned.1.call-start
scs
called_computation_lowered:
.L_overlay_start_0:
0x0: {  	s2 =	sld [smem:$0x3FD9]  }
0x1: {  	s3 =	sld [smem:$0x3FFE];
	_ =	sdelay $0x1  }
0x2: {  	s1 =	srdreg.scid  }
0x3: {  	s0 =	sand.u32 $0x1, s1  }
0x4: {  	s18 =	sshll.u32 s0, $0xA;
	s2 =	sadd.s32 s3, s2  }
0x5: {  	s2 =	sadd.s32 s2, s18  }
0x6: {  	[smem:$0x3FC6] =	sst s2  }
0x7: {  	_ = 	snop  }
0x8: {  	s2 =	sld [smem:$0x3FD0];
	(tm) =	ssettm $0x1  }
0x9: {  	s19 =	sld [smem:$0x3FFB];
	_ =	sdelay $0x3  }
0xa: {  	_ =	strace s19  }
0xb: {  	s3 =	sld [smem:$0x3FFC];
	_ =	sdelay $0x3  }
0xc: {  	_ =	strace s3  }
0xd: {  	s3 =	sld [smem:$0x3FFD];
	_ =	sdelay $0x3  }
0xe: {  	_ =	strace s3  }
0xf: {  	_ =	strace $0x8FFFFFFF  }
0x10: {  	s20 =	sld [smem:$0x3FDB];
	_ =	sdelay $0x1  }
0x11: {  	s4 =	simm.s32 $_scs_section_size  }
0x12: {  	s5 =	simm.s32 $_size__tile_overlayer_lowered;
	s6 =	simm.s32 $_tile_overlayer_lowered  }
0x13: {  	s23 =	simm.s32 $0x1BFF;
	s22 =	sshll.u32 s6, $0x1;
	s3 =	sadd.s32 s4, s20  }
0x14: {  	s7 =	simm.s32 $0x0;
	s21 =	sshll.u32 s5, $0x1;
	s5 =	sadd.s32 s22, s3  }
0x15: {  	[timem:s7], [sflag:s23] =	dma.local [hbm:s5], s21  }
0x16: {  	_ =	swait.ge [sflag:s23], s21  }
0x17: {  	s4 =	ssub.s32 $0x0, s21;
	[sflag:s23] =	ssyncset.done $0x0  }
0x18: {  	[sflag:s23] =	ssyncadd.s32 s4;
	_ =	sdelay $0x1  }
0x19: {  	s24 =	simm.s32 $0x1B8B  }
0x1a: {  	_ =	swait.ge [sflag:s24], $0x1  }
0x1b: {  	[sflag:s24] =	ssyncset.done $0x0  }
0x1c: {  	s26 =	simm.s32 $0x1B8E;
	s25 =	sld [smem:$0x3FFE];
	[sflag:s24] =	ssyncadd.s32 $0xFFFFFFFF  }
0x1d: {  	s27 =	simm.s32 $execute0_lowered;
	[smem:$0x3FD2] =	sst s26  }
0x1e: {  	s5 =	sshll.u32 s27, $0x1;
	_ =	strace $0x80000049;
	[dreg:$0x1] =	wrdreg $0xFFFFFFFF  }
0x1f: {  	s28 =	simm.s32 $_size_execute0_lowered;
	s3 =	sadd.s32 s3, s5;
	[dreg:$0x0] =	wrdreg $0x0  }
0x20: {  	s5 =	sshll.u32 s28, $0x1;
	[dreg:$0x2] =	wrdreg s3  }
0x21: {  	[dreg:$0x3] =	wrdreg s5  }
0x22: {  	[dreg:$0x4] =	wrdreg $0xC0  }
0x23: {  	_ =	task [dreg:s7], $0x5FFFF  }
0x24: {  	[dreg:$0x1] =	wrdreg $0xFFFFFFFF  }
0x25: {  	[dreg:$0x0] =	wrdreg $0x60  }
0x26: {  	[dreg:$0x2] =	wrdreg s25  }
0x27: {  	[dreg:$0x3] =	wrdreg s2  }
0x28: {  	[dreg:$0x4] =	wrdreg $0x9  }
0x29: {  	_ =	task.clear_ibuf [dreg:s7], $0x5FFFF;
	_ =	strace $0x90000049  }
0x2a: {  	s29 =	simm.s32 $0x9;
	_ =	strace $0x8000004B  }
0x2b: {  	_ =	swait.ge [sflag:s29], $0x1  }
0x2c: {  	[sflag:s29] =	ssyncadd.s32 $0xFFFFFFFF  }
0x2d: {  	_ =	strace $0x9000004B  }
0x2e: {  	_ =	sfence  }
0x2f: {  	s30 =	sld [smem:$0x0];
	_ =	sdelay $0x2  }
0x30: {  	s31 =	sshll.u32 s1, $0xD;
	s1 =	sshrl.u32 s1, $0x2  }
0x31: {  	s3 =	sand.u32 $0x4000, s31;
	s1 =	sadd.s32 s1, s30  }
0x32: {  	s0 =	sor.u32 s3, s0;
	s1 =	sshll.u32 s1, $0x11  }
0x33: {  	s0 =	sor.u32 s1, s0  }
0x34: {  	s0 =	sadd.s32 $0x8F2B, s0  }
0x35: {  	[sflag:s0] =	ssyncadd.remote.s32 $0x1  }
0x36: {  	_ =	sfence.sel $0xFFFF  }
0x37: {  	[dreg:$0x0] =	wrdreg $0xFFFFFFFF;
	(pc) =	sbr.abs _section_cstart, $3  }
0x38: {  	[dreg:$0x1] =	wrdreg $0xFFFFFFFF  }
0x39: {  	_ =	task.clear_ibuf [dreg:s7], $0x2FFFF;
	_ =	strace $0x9FFFFFFF  }
0x3a: {  	(tm) =	ssettm $0x7FFFFFFF  }
0x3b: {  	_ =	shalt  }
tec
execute0_lowered:
.L_overlay_start_1:
0x0: {  	(tag) =	ssettag $0x1  }
0x1: {  	s0 =	srdreg.scid  }
0x2: {  	s1 =	sshll.u32 s0, $0x4  }
0x3: {  	s4 =	rddreg [dreg:$0x0];
	s0 =	stileid.u32;
	s1 =	sand.u32 $0x10, s1  }
0x4: {  	s2 =	rddreg [dreg:$0x1];
	s7 =	simm.s32 $0x1;
	s1 =	sor.u32 s0, s1  }
0x5: {  	s8 =	simm.s32 $0x2;
	s11 =	simm.s32 $0x0;
	s3 =	sshll.u32 s1, $0x7  }
0x6: {  	s10 =	simm.s32 $0x0;
	s4 =	sadd.s32 $0xA00, s4;
	s6 =	ssub.s32 $0xC8000, s3  }
.Ltmp0:
0x7: {  	s1 =	rddreg [dreg:$0x2];
	s5 =	sand.u32 $0xF80, s6;
	(pc) =	sbr.rel .LBB1_1-.Ltmp0, $4  }
0x8: {  	_ =	strace $0x8000004A;
	s9 =	smov.u32 s3;
	p0 =	sne.s32 s5, $0x0  }
0x9: {  	s6 =	sshrl.u32 s6, $0xC;
	s5 =	simm.s32 $0x1;
	s7 =	simm.s32 @!p0 $0x0  }
0xa: {  	[sflag:s5] =	ssyncpa.u1 $0x0;
	p0 =	por $0x0, $0x0;
	s6 =	sadd.s32 s7, s6  }
0xb: {  	[sflag:s8] =	ssyncpa.u1 $0x0;
	s8 =	simm.s32 $0x640000;
	s7 =	sadd.s32 $0x1, s6  }
.LBB1_4:
0xc: {  	s14 =	sshll.u32 s11, $0x3  }
0xd: {  	s30 =	sand.u32 $0x7F, s11;
	s15 =	sand.u32 $0xFFFFFC00, s14  }
0xe: {  	s11 =	sor.u32 s30, s15  }
0xf: {  	s15 =	smulhi.u32 $0x51EB851F, s11  }
0x10: {  	s14 =	smulhi.u32 $0x51EB851F, s14  }
0x11: {  	s15 =	sshrl.u32 s15, $0x12  }
0x12: {  	s14 =	sshrl.u32 s14, $0x12;
	s15 =	smul.u32 $0xC8000, s15  }
0x13: {  	s14 =	sand.u32 $0x3F, s14  }
0x14: {  	s14 =	smul.u32 $0x19000, s14;
	s11 =	ssub.s32 s11, s15  }
0x15: {  	[tilespmem:s13+$0x810 ss:$0x81] =	vst.msk $0xffff, v2;
	s15 =	sand.u32 $0x7, s11  }
0x16: {  	[tilespmem:s13+$0x1020 ss:$0x81] =	vst.msk $0xffff, v0;
	s14 =	sadd.s32 s2, s14;
	s11 =	sshrl.u32 s11, $0x3;
	s15 =	sshll.u32 s15, $0x12  }
0x17: {  	[tilespmem:s13+$0x0 ss:$0x81] =	vst.msk $0xffff, v1;
	s11 =	sadd.s32 s11, s14;
	s31 =	sor.u32 $0x400, s15  }
0x18: {  	[hbm4b:s11+s31] =	stream.strided.scatter [tilespmem:s12], [sflag:$0x2], $0x2000, s8, s31, $0x20;
	[tilespmem:$0x8080] =	vst v63  }
.LBB1_5:
0x19: {  	s13 =	sadd.s32 $0x1000, s9  }
0x1a: {  	p2 =	sgt.s32 s13, $0xC7FFF  }
0x1b: {  	s13 =	smov.u32 @p2 s3;
	p2 =	sne.s32 s10, s7  }
.Ltmp1:
0x1c: {  	p1 =	slt.u32 s10, $0x2;
	(pc) =	sbr.rel @!p2 .LBB1_6-.Ltmp1, $4  }
0x1d: {  	s12 =	simm.s32 @!p1 $0x2  }
0x1e: {  	s14 =	sadd.s32 $0x1, s10;
	_ =	swait.ge @!p1 [sflag:s12], $0x2000  }
0x1f: {  	s11 =	smov.u32 s9;
	p0 =	por !p0, !p0;
	[sflag:s12] =	ssyncset.done @!p1 $0x0  }
0x20: {  	s10 =	smov.u32 s14;
	s9 =	smov.u32 s13;
	[sflag:s12] =	ssyncadd.s32 @!p1 $0xFFFFE000  }
.LBB1_1:
0x21: {  	p1 =	sge.u32 s10, s6  }
0x22: {  	s12 =	sand.u32 @!p1 $0x1FFFFFF, s9  }
0x23: {  	s13 =	smulhi.u32 @!p1 $0x147AE15, s12;
	_ =	sdelay $0x1  }
0x24: {  	s13 =	sshrl.u32 @!p1 s13, $0xC  }
0x25: {  	s13 =	smul.u32 @!p1 $0xC8000, s13;
	_ =	sdelay $0x1  }
0x26: {  	s31 =	sadd.s32 $0xFFFFFFFF, s10;
	s14 =	sxor.u32 @!p1 $0xFFFFFFFF, s10;
	s12 =	ssub.s32 @!p1 s12, s13  }
0x27: {  	s15 =	simm.s32 @!p1 $0x80;
	s14 =	sshll.u32 @!p1 s14, $0xD;
	s12 =	sshll.u32 @!p1 s12, $0x4  }
0x28: {  	s13 =	sand.u32 @!p1 $0x2000, s14;
	s14 =	simm.s32 @!p1 $0x40;
	s12 =	sadd.s32 @!p1 s4, s12  }
0x29: {  	[tilespmem:s13], [sflag:$0x1] =	stream.strided.gather @!p1 [hbm4b:s12+s14], $0x2000, s15, s14, $0x38;
	[tilespmem:$0x8080] =	vst v63  }
0x2a: {  	p1 =	sge.u32 s31, s6  }
.Ltmp2:
0x2b: {  	_ = 	snop;
	(pc) =	sbr.rel @p1 .LBB1_5-.Ltmp2, $1  }
0x2c: {  	_ =	sdelay $0x3  }
0x2d: {  	s12 =	simm.s32 $0x1  }
0x2e: {  	_ =	swait.ge [sflag:s5], $0x2000;
	s12 =	simm.s32 @!p0 $0x0  }
0x2f: {  	[sflag:s5] =	ssyncset.done $0x0;
	s13 =	sshll.u32 s12, $0xD  }
0x30: {  	[sflag:s5] =	ssyncadd.s32 $0xFFFFE000;
	s16 =	sor.u32 $0x20, s13  }
0x31: {  	s12 =	smul.u32 $0x8100, s12;
	v3 =	vld [tilespmem:s16+$0x10]  }
0x32: {  	s30 =	sand.u32 $0x1, s10;
	v2 =	vld [tilespmem:s16+$0xFFFFFFF0]  }
0x33: {  	s13 =	smul.u32 $0x8100, s30;
	s12 =	sshrl.u32 s12, $0x2;
	v0 =	vld [tilespmem:s16+$0x0]  }
0x34: {  	v1 =	vld [tilespmem:s16+$0xFFFFFFE0];
	s14 =	sor.u32 $0x4000, s12  }
0x35: {  	s31 =	sshrl.u32 s13, $0x2;
	s13 =	sadd.s32 $0x0, s14  }
0x36: {  	s15 =	simm.s32 $0x4;
	s16 =	sadd.s32 $0x40, s16;
	s12 =	sor.u32 $0x4000, s31;
	[tilespmem:s13+$0x1830 ss:$0x81] =	vst.msk $0xffff, v3  }
.LBB1_3:
0x37: {  	v3 =	vld [tilespmem:s16+$0x10];
	p1 =	sne.s32 s15, $0x1FC;
	[tilespmem:s13+$0x810 ss:$0x81] =	vst.msk $0xffff, v2;
	s17 =	smov.u32 s15;
	s15 =	sadd.s32 $0x4, s15  }
.Ltmp3:
0x38: {  	v2 =	vld [tilespmem:s16+$0xFFFFFFF0];
	[tilespmem:s13+$0x1020 ss:$0x81] =	vst.msk $0xffff, v0;
	(pc) =	sbr.rel @p1 .LBB1_3-.Ltmp3, $4  }
0x39: {  	v0 =	vld [tilespmem:s16+$0x0];
	[tilespmem:s13+$0x0 ss:$0x81] =	vst.msk $0xffff, v1  }
0x3a: {  	s13 =	sshra.s32 s17, $0x2;
	v1 =	vld [tilespmem:s16+$0xFFFFFFE0]  }
0x3b: {  	s13 =	sadd.s32 s13, s14  }
0x3c: {  	s16 =	sadd.s32 $0x40, s16;
	[tilespmem:s13+$0x1830 ss:$0x81] =	vst.msk $0xffff, v3  }
.Ltmp4:
0x3d: {  	_ = 	snop;
	(pc) =	sbr.rel .LBB1_4-.Ltmp4, $1  }
0x3e: {  	_ =	sdelay $0x3  }
.LBB1_6:
0x3f: {  	_ =	sfence.sel $0x180000  }
0x40: {  	s2 =	simm.s32 $0x1;
	[bflag:$0x0] =	sbarrier.arrive $0xFFFF  }
0x41: {  	s31 =	simm.s32 $0x2;
	[sflag:s2] =	ssyncpa.u1 $0x1  }
0x42: {  	[sflag:s31] =	ssyncpa.u1 $0x1  }
0x43: {  	p0 =	sne.s32 s0, $0x0;
	_ =	strace $0x9000004A  }
0x44: {  	s0 =	sadd.s32 @!p0 $0x100000, s1;
	[bflag:$0x2] =	sbarrier.arrive $0xFFFF  }
0x45: {  	[sflag:s0] =	ssyncadd.tile.s32 @!p0 $0x1;
	_ =	shalt  }
.Lfunc_end1:
_tile_overlayer_lowered:
.L_overlay_start_2:
0x46: {  	(tag) =	ssettag $0x2  }
0x47: {  	s0 =	rddreg [dreg:$0x0];
	s2 =	stileid.u32  }
0x48: {  	s1 =	rddreg [dreg:$0x1];
	p0 =	sne.s32 s2, $0x0  }
0x49: {  	s3 =	rddreg [dreg:$0x2];
	[bflag:$0x3] =	sbarrier.arrive $0xFFFF;
	s2 =	simm.s32 @!p0 $0x1C01  }
0x4a: {  	[timem:s3], [sflag:s2] =	dma.local @!p0 [hbm:s0], s1  }
0x4b: {  	s0 =	simm.s32 @!p0 $0x1  }
0x4c: {  	_ =	swait.ge @!p0 [sflag:s0], s1  }
0x4d: {  	s1 =	ssub.s32 @!p0 $0x0, s1;
	[sflag:s0] =	ssyncset.done @!p0 $0x0  }
0x4e: {  	[sflag:s0] =	ssyncadd.s32 @!p0 s1  }
0x4f: {  	[bflag:$0x3] =	sbarrier.arrive $0xFFFF  }
0x50: {  	_ =	shalt  }

</sc_bundles>
